<compile_context>
chip_gen: v7x
topology: tpu7x:2x2x1
jax: 0.10.2.dev20260603
libtpu: 0.0.44.dev20260713+nightly
codegen_flags: <defaults>
</compile_context>

<pallas_src>
import functools

import jax
import jax.numpy as jnp
from jax import lax
from jax.experimental import pallas as pl
from jax.experimental.pallas import tpu as pltpu
from jax.experimental.pallas import tpu_sc as plsc

N = 10000
D = 128
E = 320000
NC = 2
NS = 16
NT = NC * NS
CPT = D // NT
N4 = N * CPT
EPT = E // NT
CH = 8000
NCH = E // CH

_mesh = plsc.VectorSubcoreMesh(core_axis_name="c", subcore_axis_name="s")
_sc_params = pltpu.CompilerParams(needs_layout_passes=False)


@functools.partial(
    pl.kernel,
    out_type=jax.ShapeDtypeStruct((NT, N), jnp.float32),
    mesh=_mesh,
    compiler_params=_sc_params,
    scratch_types=[
        pltpu.VMEM((N,), jnp.float32),
        pltpu.VMEM((EPT,), jnp.int32),
    ],
)
def _deg_kernel(dst_hbm, out_hbm, cnt_v, dbuf_v):
    w = lax.axis_index("s") * NC + lax.axis_index("c")
    zeros = jnp.zeros((16,), jnp.float32)
    ones = jnp.full((16,), 1.0, jnp.float32)

    @pl.loop(0, N // 16, unroll=8)
    def _(i):
        cnt_v[pl.ds(i * 16, 16)] = zeros

    pltpu.sync_copy(dst_hbm.at[pl.ds(w * EPT, EPT)], dbuf_v)

    @pl.loop(0, EPT // 16, unroll=8)
    def _(g):
        d = dbuf_v[pl.ds(g * 16, 16)]
        plsc.addupdate_scatter(cnt_v, [d], ones)

    pltpu.sync_copy(cnt_v, out_hbm.at[w])


_BN = 1000


def _prep_body(x_ref, w_ref, b_ref, degt_ref, hs0_ref, f1_ref, f2_ref):
    deg = jnp.sum(degt_ref[...], axis=1, keepdims=True)
    n = lax.rsqrt(deg + 1.0)
    h0 = lax.dot_general(
        x_ref[...], w_ref[...], (((1,), (1,)), ((), ())),
        preferred_element_type=jnp.float32,
    ) + b_ref[...]
    hs0_ref[...] = h0 * n
    f1_ref[...] = n * n
    f2_ref[...] = n


def _tc_prep(features, W, b2, deg_t):
    return pl.pallas_call(
        _prep_body,
        grid=(N // _BN,),
        in_specs=[
            pl.BlockSpec((_BN, D), lambda i: (i, 0)),
            pl.BlockSpec((D, D), lambda i: (0, 0)),
            pl.BlockSpec((1, D), lambda i: (0, 0)),
            pl.BlockSpec((_BN, NT), lambda i: (i, 0)),
        ],
        out_specs=[
            pl.BlockSpec((_BN, D), lambda i: (i, 0)),
            pl.BlockSpec((_BN, 1), lambda i: (i, 0)),
            pl.BlockSpec((_BN, 1), lambda i: (i, 0)),
        ],
        out_shape=[
            jax.ShapeDtypeStruct((N, D), jnp.float32),
            jax.ShapeDtypeStruct((N, 1), jnp.float32),
            jax.ShapeDtypeStruct((N, 1), jnp.float32),
        ],
    )(features, W, b2, deg_t)


@functools.partial(
    pl.kernel,
    out_type=jax.ShapeDtypeStruct((NT, N4), jnp.float32),
    mesh=_mesh,
    compiler_params=_sc_params,
    scratch_types=[
        pltpu.VMEM((N4,), jnp.float32),
        pltpu.VMEM((N4,), jnp.float32),
        pltpu.VMEM((N,), jnp.float32),
        pltpu.VMEM((N,), jnp.float32),
        pltpu.VMEM((CH,), jnp.int32),
        pltpu.VMEM((CH,), jnp.int32),
    ],
)
def _prop_kernel(hs0_hbm, src_hbm, dst_hbm, f1_hbm, f2_hbm, out_hbm,
                 bufA, bufB, f1v, f2v, sbuf, dbuf):
    w = lax.axis_index("s") * NC + lax.axis_index("c")
    roff = (w * NCH) // NT

    pltpu.sync_copy(hs0_hbm.at[w], bufA)
    pltpu.sync_copy(hs0_hbm.at[w], bufB)
    pltpu.sync_copy(f1_hbm, f1v)
    pltpu.sync_copy(f2_hbm, f2v)
    iota = lax.iota(jnp.int32, 16)

    def edge_pass(table, acc):
        @pl.loop(0, NCH)
        def _(ci):
            c = ci + roff
            off = jnp.where(c >= NCH, c - NCH, c) * CH
            pltpu.sync_copy(src_hbm.at[pl.ds(off, CH)], sbuf)
            pltpu.sync_copy(dst_hbm.at[pl.ds(off, CH)], dbuf)

            @pl.loop(0, CH // 32, unroll=2)
            def _(g):
                base = g * 32
                ss = [sbuf[pl.ds(base + 16 * k, 16)] for k in (0, 1)]
                ds_ = [dbuf[pl.ds(base + 16 * k, 16)] for k in (0, 1)]
                sis = [s * CPT for s in ss]
                dis = [d * CPT for d in ds_]
                vals = [plsc.load_gather(table, [sis[k] + j])
                        for k in (0, 1) for j in range(CPT)]
                for k in (0, 1):
                    for j in range(CPT):
                        plsc.addupdate_scatter(
                            acc, [dis[k] + j], vals[k * CPT + j])

    def scale(acc, fv):
        @pl.loop(0, N4 // 16, unroll=4)
        def _(g):
            base = g * 16
            ridx = lax.shift_right_logical(base + iota, 2)
            f = plsc.load_gather(fv, [ridx])
            acc[pl.ds(base, 16)] = acc[pl.ds(base, 16)] * f

    edge_pass(bufA, bufB)
    scale(bufB, f1v)
    edge_pass(bufB, bufA)
    scale(bufA, f2v)
    pltpu.sync_copy(bufA, out_hbm.at[w])


@jax.jit
def kernel(features, edge_index, W, b):
    src = edge_index[0]
    dst = edge_index[1]
    deg_part = _deg_kernel(dst)
    hs0, f1, f2 = _tc_prep(features, W, b.reshape(1, D), deg_part.T)
    hs0_l = hs0.reshape(N, NT, CPT).transpose(1, 0, 2).reshape(NT, N4)
    out_l = _prop_kernel(hs0_l, src, dst, f1.reshape(N), f2.reshape(N))
    return out_l.reshape(NT, N, CPT).transpose(1, 0, 2).reshape(N, D)

# --- scband reference (transcript-rebuilt; emitter-appended) ---
"""Pipeline reference for scband-vsgclayer-pre-11914239279381 (READ-ONLY COPY).

The authoritative reference and input builder live on the scoring server;
editing this copy changes nothing except your own understanding.
"""

import jax, jax.numpy as jnp
import numpy as np

N = 10000
E = 320000
D = 128
K = 2
ALPHA = 1.0
LAMBD = 1.0


def setup_inputs(seed: int = 0) -> dict:
    key = jax.random.key(seed)
    k1, k2, k3 = jax.random.split(key, 3)
    features = jax.random.normal(k1, (N, D), dtype=jnp.float32)
    # edge_index[0] = src nodes, edge_index[1] = dst nodes
    edge_index = jax.random.randint(k2, (2, E), 0, N, dtype=jnp.int32)
    # nn.Linear params, xavier_uniform weight, zero bias
    bound = float(np.sqrt(6.0 / (D + D)))
    W = jax.random.uniform(k3, (D, D), minval=-bound, maxval=bound, dtype=jnp.float32)
    b = jnp.zeros((D,), dtype=jnp.float32)
    return {"features": features, "edge_index": edge_index, "W": W, "b": b}


def reference(features, edge_index, W, b):
    Nn = features.shape[0]
    src = edge_index[0]
    dst = edge_index[1]
    # in-degrees: number of edges pointing at each node
    degs = jnp.zeros((Nn,), dtype=jnp.float32).at[dst].add(1.0)
    norm_lambd_1 = jnp.power(LAMBD * degs + 1.0, -1.0)[:, None]
    norm05 = jnp.power(degs + 1.0, 0.5)[:, None]
    norm_05 = jnp.power(degs + 1.0, -0.5)[:, None]
    # dropout is identity (p=0)
    h = features @ W.T + b
    h_pre = h
    h_initial = h * norm_lambd_1
    for _ in range(K):
        h = h * norm_05
        # update_all(copy_u, sum): h_new[v] = sum_{(u->v)} h[u]
        h = jax.ops.segment_sum(h[src], dst, num_segments=Nn)
        h = h * norm_lambd_1 * norm05
        h = ALPHA * LAMBD * h + (1.0 - ALPHA) * h_pre + ALPHA * h_initial
        h_pre = h
    return h

if __name__ == "__main__":
    import jax
    _d = setup_inputs()
    print(jax.jit(kernel)(*tuple(_d.values())))

</pallas_src>

<mosaic_0001>
#map = affine_map<(d0, d1) -> (0, 0)>
#map1 = affine_map<(d0, d1) -> (0)>
module attributes {stable_mosaic.version = 14 : i64} {
  func.func @_prop_kernel(%arg0: i32, %arg1: i32, %arg2: memref<32x40000xf32, #tpu.memory_space<hbm>>, %arg3: memref<320000xi32, #tpu.memory_space<hbm>>, %arg4: memref<320000xi32, #tpu.memory_space<hbm>>, %arg5: memref<10000xf32, #tpu.memory_space<hbm>>, %arg6: memref<10000xf32, #tpu.memory_space<hbm>>, %arg7: memref<32x40000xf32, #tpu.memory_space<hbm>>, %arg8: memref<40000xf32, #tpu.memory_space<vmem>>, %arg9: memref<40000xf32, #tpu.memory_space<vmem>>, %arg10: memref<10000xf32, #tpu.memory_space<vmem>>, %arg11: memref<10000xf32, #tpu.memory_space<vmem>>, %arg12: memref<8000xi32, #tpu.memory_space<vmem>>, %arg13: memref<8000xi32, #tpu.memory_space<vmem>>) attributes {dimension_semantics = [#tpu.dimension_semantics<core_parallel>, #tpu.dimension_semantics<subcore_parallel>], iteration_bounds = array<i64: 2, 16>, scalar_prefetch = 0 : i64, scratch_operands = 6 : i64, tpu.core_type = #tpu.core_type<sc_vector_subcore>, window_params = [{transform_indices = #map}, {transform_indices = #map1}, {transform_indices = #map1}, {transform_indices = #map1}, {transform_indices = #map1}, {transform_indices = #map}]} {
    %mul3A = arith.constant 2 : i32
    %mul3A_0 = arith.muli %arg1, %mul3A : i32
    %add3A = arith.addi %mul3A_0, %arg0 : i32
    %mul3A_1 = arith.constant 40 : i32
    %mul3A_2 = arith.muli %add3A, %mul3A_1 : i32
    %jit3A = arith.constant 32 : i32
    %div3A = arith.divsi %mul3A_2, %jit3A : i32
    %sign3A = arith.constant 0 : i32
    %sign3A_3 = arith.cmpi sgt, %mul3A_2, %sign3A : i32
    %sign3A_4 = arith.extui %sign3A_3 : i1 to i32
    %sign3A_5 = arith.constant 0 : i32
    %sign3A_6 = arith.cmpi slt, %mul3A_2, %sign3A_5 : i32
    %sign3A_7 = arith.extui %sign3A_6 : i1 to i32
    %sign3A_8 = arith.subi %sign3A_4, %sign3A_7 : i32
    %sign3A_9 = arith.constant 0 : i32
    %sign3A_10 = arith.cmpi sgt, %jit3A, %sign3A_9 : i32
    %sign3A_11 = arith.extui %sign3A_10 : i1 to i32
    %sign3A_12 = arith.constant 0 : i32
    %sign3A_13 = arith.cmpi slt, %jit3A, %sign3A_12 : i32
    %sign3A_14 = arith.extui %sign3A_13 : i1 to i32
    %sign3A_15 = arith.subi %sign3A_11, %sign3A_14 : i32
    %ne3A = arith.cmpi ne, %sign3A_8, %sign3A_15 : i32
    %rem3A = arith.remsi %mul3A_2, %jit3A : i32
    %ne3A_16 = arith.constant 0 : i32
    %ne3A_17 = arith.cmpi ne, %rem3A, %ne3A_16 : i32
    %and3A = arith.andi %ne3A, %ne3A_17 : i1
    %sub3A = arith.constant 1 : i32
    %sub3A_18 = arith.subi %div3A, %sub3A : i32
    %select_n3A = arith.select %and3A, %sub3A_18, %div3A : i32
    "tpu.region"() ({
      %run_scoped3A = tpu.sem_alloc : memref<!tpu.dma_semaphore, #tpu.memory_space<semaphore_mem>>
      %dma_start3A = arith.constant 0 : i32
      %dma_start3A_38 = tpu.memref_slice %arg2[%add3A, %dma_start3A] : memref<32x40000xf32, #tpu.memory_space<hbm>> -> memref<1x40000xf32, #tpu.memory_space<hbm>>
      %dma_start3A_39 = tpu.memref_squeeze %dma_start3A_38 : memref<1x40000xf32, #tpu.memory_space<hbm>> -> memref<40000xf32, #tpu.memory_space<hbm>>
      %dma_start3A_40 = arith.constant 0 : i32
      %dma_start3A_41 = tpu.memref_slice %arg2[%add3A, %dma_start3A_40] : memref<32x40000xf32, #tpu.memory_space<hbm>> -> memref<1x40000xf32, #tpu.memory_space<hbm>>
      %dma_start3A_42 = tpu.memref_squeeze %dma_start3A_41 : memref<1x40000xf32, #tpu.memory_space<hbm>> -> memref<40000xf32, #tpu.memory_space<hbm>>
      tpu.enqueue_dma source(%dma_start3A_42 : memref<40000xf32, #tpu.memory_space<hbm>>) target(%arg8 : memref<40000xf32, #tpu.memory_space<vmem>>) target_semaphore(%run_scoped3A : memref<!tpu.dma_semaphore, #tpu.memory_space<semaphore_mem>>)
      %dma_wait3A = arith.constant 0 : i32
      %dma_wait3A_43 = tpu.memref_slice %arg2[%add3A, %dma_wait3A] : memref<32x40000xf32, #tpu.memory_space<hbm>> -> memref<1x40000xf32, #tpu.memory_space<hbm>>
      %dma_wait3A_44 = tpu.memref_squeeze %dma_wait3A_43 : memref<1x40000xf32, #tpu.memory_space<hbm>> -> memref<40000xf32, #tpu.memory_space<hbm>>
      %dma_wait3A_45 = arith.constant 0 : i32
      %dma_wait3A_46 = tpu.memref_slice %arg2[%add3A, %dma_wait3A_45] : memref<32x40000xf32, #tpu.memory_space<hbm>> -> memref<1x40000xf32, #tpu.memory_space<hbm>>
      %dma_wait3A_47 = tpu.memref_squeeze %dma_wait3A_46 : memref<1x40000xf32, #tpu.memory_space<hbm>> -> memref<40000xf32, #tpu.memory_space<hbm>>
      tpu.wait_dma2 semaphore(%run_scoped3A : memref<!tpu.dma_semaphore, #tpu.memory_space<semaphore_mem>>) src(%dma_wait3A_47 : memref<40000xf32, #tpu.memory_space<hbm>>) dst(%arg8 : memref<40000xf32, #tpu.memory_space<vmem>>)
      tpu.yield
    }) : () -> ()
    "tpu.region"() ({
      %run_scoped3A = tpu.sem_alloc : memref<!tpu.dma_semaphore, #tpu.memory_space<semaphore_mem>>
      %dma_start3A = arith.constant 0 : i32
      %dma_start3A_38 = tpu.memref_slice %arg2[%add3A, %dma_start3A] : memref<32x40000xf32, #tpu.memory_space<hbm>> -> memref<1x40000xf32, #tpu.memory_space<hbm>>
      %dma_start3A_39 = tpu.memref_squeeze %dma_start3A_38 : memref<1x40000xf32, #tpu.memory_space<hbm>> -> memref<40000xf32, #tpu.memory_space<hbm>>
      %dma_start3A_40 = arith.constant 0 : i32
      %dma_start3A_41 = tpu.memref_slice %arg2[%add3A, %dma_start3A_40] : memref<32x40000xf32, #tpu.memory_space<hbm>> -> memref<1x40000xf32, #tpu.memory_space<hbm>>
      %dma_start3A_42 = tpu.memref_squeeze %dma_start3A_41 : memref<1x40000xf32, #tpu.memory_space<hbm>> -> memref<40000xf32, #tpu.memory_space<hbm>>
      tpu.enqueue_dma source(%dma_start3A_42 : memref<40000xf32, #tpu.memory_space<hbm>>) target(%arg9 : memref<40000xf32, #tpu.memory_space<vmem>>) target_semaphore(%run_scoped3A : memref<!tpu.dma_semaphore, #tpu.memory_space<semaphore_mem>>)
      %dma_wait3A = arith.constant 0 : i32
      %dma_wait3A_43 = tpu.memref_slice %arg2[%add3A, %dma_wait3A] : memref<32x40000xf32, #tpu.memory_space<hbm>> -> memref<1x40000xf32, #tpu.memory_space<hbm>>
      %dma_wait3A_44 = tpu.memref_squeeze %dma_wait3A_43 : memref<1x40000xf32, #tpu.memory_space<hbm>> -> memref<40000xf32, #tpu.memory_space<hbm>>
      %dma_wait3A_45 = arith.constant 0 : i32
      %dma_wait3A_46 = tpu.memref_slice %arg2[%add3A, %dma_wait3A_45] : memref<32x40000xf32, #tpu.memory_space<hbm>> -> memref<1x40000xf32, #tpu.memory_space<hbm>>
      %dma_wait3A_47 = tpu.memref_squeeze %dma_wait3A_46 : memref<1x40000xf32, #tpu.memory_space<hbm>> -> memref<40000xf32, #tpu.memory_space<hbm>>
      tpu.wait_dma2 semaphore(%run_scoped3A : memref<!tpu.dma_semaphore, #tpu.memory_space<semaphore_mem>>) src(%dma_wait3A_47 : memref<40000xf32, #tpu.memory_space<hbm>>) dst(%arg9 : memref<40000xf32, #tpu.memory_space<vmem>>)
      tpu.yield
    }) : () -> ()
    "tpu.region"() ({
      %run_scoped3A = tpu.sem_alloc : memref<!tpu.dma_semaphore, #tpu.memory_space<semaphore_mem>>
      tpu.enqueue_dma source(%arg5 : memref<10000xf32, #tpu.memory_space<hbm>>) target(%arg10 : memref<10000xf32, #tpu.memory_space<vmem>>) target_semaphore(%run_scoped3A : memref<!tpu.dma_semaphore, #tpu.memory_space<semaphore_mem>>)
      tpu.wait_dma2 semaphore(%run_scoped3A : memref<!tpu.dma_semaphore, #tpu.memory_space<semaphore_mem>>) src(%arg5 : memref<10000xf32, #tpu.memory_space<hbm>>) dst(%arg10 : memref<10000xf32, #tpu.memory_space<vmem>>)
      tpu.yield
    }) : () -> ()
    "tpu.region"() ({
      %run_scoped3A = tpu.sem_alloc : memref<!tpu.dma_semaphore, #tpu.memory_space<semaphore_mem>>
      tpu.enqueue_dma source(%arg6 : memref<10000xf32, #tpu.memory_space<hbm>>) target(%arg11 : memref<10000xf32, #tpu.memory_space<vmem>>) target_semaphore(%run_scoped3A : memref<!tpu.dma_semaphore, #tpu.memory_space<semaphore_mem>>)
      tpu.wait_dma2 semaphore(%run_scoped3A : memref<!tpu.dma_semaphore, #tpu.memory_space<semaphore_mem>>) src(%arg6 : memref<10000xf32, #tpu.memory_space<hbm>>) dst(%arg11 : memref<10000xf32, #tpu.memory_space<vmem>>)
      tpu.yield
    }) : () -> ()
    %iota3A = tpu.iota {dimensions = array<i32: 0>} : vector<16xi32>
    %scan3A = arith.constant 0 : i32
    %scan3A_19 = arith.constant 40 : i32
    %scan3A_20 = arith.addi %scan3A, %scan3A_19 : i32
    %scan3A_21 = arith.constant 1 : i32
    scf.for %scan3A_38 = %scan3A to %scan3A_20 step %scan3A_21  : i32 {
      %mul3A_39 = arith.constant 1 : i32
      %mul3A_40 = arith.muli %scan3A_38, %mul3A_39 : i32
      %add3A_41 = arith.constant 0 : i32
      %add3A_42 = arith.addi %add3A_41, %mul3A_40 : i32
      %add3A_43 = arith.addi %add3A_42, %select_n3A : i32
      %ge3A = arith.constant 40 : i32
      %ge3A_44 = arith.cmpi sge, %add3A_43, %ge3A : i32
      %sub3A_45 = arith.constant 40 : i32
      %sub3A_46 = arith.subi %add3A_43, %sub3A_45 : i32
      %select_n3A_47 = arith.select %ge3A_44, %sub3A_46, %add3A_43 : i32
      %mul3A_48 = arith.constant 8000 : i32
      %mul3A_49 = arith.muli %select_n3A_47, %mul3A_48 : i32
      "tpu.region"() ({
        %run_scoped3A = tpu.sem_alloc : memref<!tpu.dma_semaphore, #tpu.memory_space<semaphore_mem>>
        %dma_start3A = tpu.memref_slice %arg3[%mul3A_49] : memref<320000xi32, #tpu.memory_space<hbm>> -> memref<8000xi32, #tpu.memory_space<hbm>>
        %dma_start3A_55 = tpu.memref_slice %arg3[%mul3A_49] : memref<320000xi32, #tpu.memory_space<hbm>> -> memref<8000xi32, #tpu.memory_space<hbm>>
        tpu.enqueue_dma source(%dma_start3A_55 : memref<8000xi32, #tpu.memory_space<hbm>>) target(%arg12 : memref<8000xi32, #tpu.memory_space<vmem>>) target_semaphore(%run_scoped3A : memref<!tpu.dma_semaphore, #tpu.memory_space<semaphore_mem>>)
        %dma_wait3A = tpu.memref_slice %arg3[%mul3A_49] : memref<320000xi32, #tpu.memory_space<hbm>> -> memref<8000xi32, #tpu.memory_space<hbm>>
        %dma_wait3A_56 = tpu.memref_slice %arg3[%mul3A_49] : memref<320000xi32, #tpu.memory_space<hbm>> -> memref<8000xi32, #tpu.memory_space<hbm>>
        tpu.wait_dma2 semaphore(%run_scoped3A : memref<!tpu.dma_semaphore, #tpu.memory_space<semaphore_mem>>) src(%dma_wait3A_56 : memref<8000xi32, #tpu.memory_space<hbm>>) dst(%arg12 : memref<8000xi32, #tpu.memory_space<vmem>>)
        tpu.yield
      }) : () -> ()
      "tpu.region"() ({
        %run_scoped3A = tpu.sem_alloc : memref<!tpu.dma_semaphore, #tpu.memory_space<semaphore_mem>>
        %dma_start3A = tpu.memref_slice %arg4[%mul3A_49] : memref<320000xi32, #tpu.memory_space<hbm>> -> memref<8000xi32, #tpu.memory_space<hbm>>
        %dma_start3A_55 = tpu.memref_slice %arg4[%mul3A_49] : memref<320000xi32, #tpu.memory_space<hbm>> -> memref<8000xi32, #tpu.memory_space<hbm>>
        tpu.enqueue_dma source(%dma_start3A_55 : memref<8000xi32, #tpu.memory_space<hbm>>) target(%arg13 : memref<8000xi32, #tpu.memory_space<vmem>>) target_semaphore(%run_scoped3A : memref<!tpu.dma_semaphore, #tpu.memory_space<semaphore_mem>>)
        %dma_wait3A = tpu.memref_slice %arg4[%mul3A_49] : memref<320000xi32, #tpu.memory_space<hbm>> -> memref<8000xi32, #tpu.memory_space<hbm>>
        %dma_wait3A_56 = tpu.memref_slice %arg4[%mul3A_49] : memref<320000xi32, #tpu.memory_space<hbm>> -> memref<8000xi32, #tpu.memory_space<hbm>>
        tpu.wait_dma2 semaphore(%run_scoped3A : memref<!tpu.dma_semaphore, #tpu.memory_space<semaphore_mem>>) src(%dma_wait3A_56 : memref<8000xi32, #tpu.memory_space<hbm>>) dst(%arg13 : memref<8000xi32, #tpu.memory_space<vmem>>)
        tpu.yield
      }) : () -> ()
      %scan3A_50 = arith.constant 0 : i32
      %scan3A_51 = arith.constant 250 : i32
      %scan3A_52 = arith.addi %scan3A_50, %scan3A_51 : i32
      %scan3A_53 = arith.constant 2 : i32
      scf.for %scan3A_55 = %scan3A_50 to %scan3A_52 step %scan3A_53  : i32 {
        %mul3A_56 = arith.constant 1 : i32
        %mul3A_57 = arith.muli %scan3A_55, %mul3A_56 : i32
        %add3A_58 = arith.constant 0 : i32
        %add3A_59 = arith.addi %add3A_58, %mul3A_57 : i32
        %mul3A_60 = arith.constant 32 : i32
        %mul3A_61 = arith.muli %add3A_59, %mul3A_60 : i32
        %add3A_62 = arith.constant 0 : i32
        %add3A_63 = arith.addi %mul3A_61, %add3A_62 : i32
        %get3A = arith.index_cast %add3A_63 : i32 to index
        %get3A_64 = tpu.vector_load %arg12[%get3A] {strides = array<i32>} : memref<8000xi32, #tpu.memory_space<vmem>>, vector<16xi32>,
        %add3A_65 = arith.constant 16 : i32
        %add3A_66 = arith.addi %mul3A_61, %add3A_65 : i32
        %get3A_67 = arith.index_cast %add3A_66 : i32 to index
        %get3A_68 = tpu.vector_load %arg12[%get3A_67] {strides = array<i32>} : memref<8000xi32, #tpu.memory_space<vmem>>, vector<16xi32>,
        %add3A_69 = arith.constant 0 : i32
        %add3A_70 = arith.addi %mul3A_61, %add3A_69 : i32
        %get3A_71 = arith.index_cast %add3A_70 : i32 to index
        %get3A_72 = tpu.vector_load %arg13[%get3A_71] {strides = array<i32>} : memref<8000xi32, #tpu.memory_space<vmem>>, vector<16xi32>,
        %add3A_73 = arith.constant 16 : i32
        %add3A_74 = arith.addi %mul3A_61, %add3A_73 : i32
        %get3A_75 = arith.index_cast %add3A_74 : i32 to index
        %get3A_76 = tpu.vector_load %arg13[%get3A_75] {strides = array<i32>} : memref<8000xi32, #tpu.memory_space<vmem>>, vector<16xi32>,
        %mul3A_77 = arith.constant 4 : i32
        %mul3A_78 = vector.broadcast %mul3A_77 : i32 to vector<16xi32>
        %mul3A_79 = arith.muli %get3A_64, %mul3A_78 : vector<16xi32>
        %mul3A_80 = arith.constant 4 : i32
        %mul3A_81 = vector.broadcast %mul3A_80 : i32 to vector<16xi32>
        %mul3A_82 = arith.muli %get3A_68, %mul3A_81 : vector<16xi32>
        %mul3A_83 = arith.constant 4 : i32
        %mul3A_84 = vector.broadcast %mul3A_83 : i32 to vector<16xi32>
        %mul3A_85 = arith.muli %get3A_72, %mul3A_84 : vector<16xi32>
        %mul3A_86 = arith.constant 4 : i32
        %mul3A_87 = vector.broadcast %mul3A_86 : i32 to vector<16xi32>
        %mul3A_88 = arith.muli %get3A_76, %mul3A_87 : vector<16xi32>
        %add3A_89 = arith.constant 0 : i32
        %add3A_90 = vector.broadcast %add3A_89 : i32 to vector<16xi32>
        %add3A_91 = arith.addi %mul3A_79, %add3A_90 : vector<16xi32>
        %gather3A = tpu.vector_load_idx %arg8[%add3A_91] : memref<40000xf32, #tpu.memory_space<vmem>>[vector<16xi32>], vector<16xf32>,
        %add3A_92 = arith.constant 1 : i32
        %add3A_93 = vector.broadcast %add3A_92 : i32 to vector<16xi32>
        %add3A_94 = arith.addi %mul3A_79, %add3A_93 : vector<16xi32>
        %gather3A_95 = tpu.vector_load_idx %arg8[%add3A_94] : memref<40000xf32, #tpu.memory_space<vmem>>[vector<16xi32>], vector<16xf32>,
        %add3A_96 = arith.constant 2 : i32
        %add3A_97 = vector.broadcast %add3A_96 : i32 to vector<16xi32>
        %add3A_98 = arith.addi %mul3A_79, %add3A_97 : vector<16xi32>
        %gather3A_99 = tpu.vector_load_idx %arg8[%add3A_98] : memref<40000xf32, #tpu.memory_space<vmem>>[vector<16xi32>], vector<16xf32>,
        %add3A_100 = arith.constant 3 : i32
        %add3A_101 = vector.broadcast %add3A_100 : i32 to vector<16xi32>
        %add3A_102 = arith.addi %mul3A_79, %add3A_101 : vector<16xi32>
        %gather3A_103 = tpu.vector_load_idx %arg8[%add3A_102] : memref<40000xf32, #tpu.memory_space<vmem>>[vector<16xi32>], vector<16xf32>,
        %add3A_104 = arith.constant 0 : i32
        %add3A_105 = vector.broadcast %add3A_104 : i32 to vector<16xi32>
        %add3A_106 = arith.addi %mul3A_82, %add3A_105 : vector<16xi32>
        %gather3A_107 = tpu.vector_load_idx %arg8[%add3A_106] : memref<40000xf32, #tpu.memory_space<vmem>>[vector<16xi32>], vector<16xf32>,
        %add3A_108 = arith.constant 1 : i32
        %add3A_109 = vector.broadcast %add3A_108 : i32 to vector<16xi32>
        %add3A_110 = arith.addi %mul3A_82, %add3A_109 : vector<16xi32>
        %gather3A_111 = tpu.vector_load_idx %arg8[%add3A_110] : memref<40000xf32, #tpu.memory_space<vmem>>[vector<16xi32>], vector<16xf32>,
        %add3A_112 = arith.constant 2 : i32
        %add3A_113 = vector.broadcast %add3A_112 : i32 to vector<16xi32>
        %add3A_114 = arith.addi %mul3A_82, %add3A_113 : vector<16xi32>
        %gather3A_115 = tpu.vector_load_idx %arg8[%add3A_114] : memref<40000xf32, #tpu.memory_space<vmem>>[vector<16xi32>], vector<16xf32>,
        %add3A_116 = arith.constant 3 : i32
        %add3A_117 = vector.broadcast %add3A_116 : i32 to vector<16xi32>
        %add3A_118 = arith.addi %mul3A_82, %add3A_117 : vector<16xi32>
        %gather3A_119 = tpu.vector_load_idx %arg8[%add3A_118] : memref<40000xf32, #tpu.memory_space<vmem>>[vector<16xi32>], vector<16xf32>,
        %add3A_120 = arith.constant 0 : i32
        %add3A_121 = vector.broadcast %add3A_120 : i32 to vector<16xi32>
        %add3A_122 = arith.addi %mul3A_85, %add3A_121 : vector<16xi32>
        tpu.vector_store_idx %arg9[%add3A_122], %gather3A {add = true} : memref<40000xf32, #tpu.memory_space<vmem>>[vector<16xi32>], vector<16xf32>,
        %add3A_123 = arith.constant 1 : i32
        %add3A_124 = vector.broadcast %add3A_123 : i32 to vector<16xi32>
        %add3A_125 = arith.addi %mul3A_85, %add3A_124 : vector<16xi32>
        tpu.vector_store_idx %arg9[%add3A_125], %gather3A_95 {add = true} : memref<40000xf32, #tpu.memory_space<vmem>>[vector<16xi32>], vector<16xf32>,
        %add3A_126 = arith.constant 2 : i32
        %add3A_127 = vector.broadcast %add3A_126 : i32 to vector<16xi32>
        %add3A_128 = arith.addi %mul3A_85, %add3A_127 : vector<16xi32>
        tpu.vector_store_idx %arg9[%add3A_128], %gather3A_99 {add = true} : memref<40000xf32, #tpu.memory_space<vmem>>[vector<16xi32>], vector<16xf32>,
        %add3A_129 = arith.constant 3 : i32
        %add3A_130 = vector.broadcast %add3A_129 : i32 to vector<16xi32>
        %add3A_131 = arith.addi %mul3A_85, %add3A_130 : vector<16xi32>
        tpu.vector_store_idx %arg9[%add3A_131], %gather3A_103 {add = true} : memref<40000xf32, #tpu.memory_space<vmem>>[vector<16xi32>], vector<16xf32>,
        %add3A_132 = arith.constant 0 : i32
        %add3A_133 = vector.broadcast %add3A_132 : i32 to vector<16xi32>
        %add3A_134 = arith.addi %mul3A_88, %add3A_133 : vector<16xi32>
        tpu.vector_store_idx %arg9[%add3A_134], %gather3A_107 {add = true} : memref<40000xf32, #tpu.memory_space<vmem>>[vector<16xi32>], vector<16xf32>,
        %add3A_135 = arith.constant 1 : i32
        %add3A_136 = vector.broadcast %add3A_135 : i32 to vector<16xi32>
        %add3A_137 = arith.addi %mul3A_88, %add3A_136 : vector<16xi32>
        tpu.vector_store_idx %arg9[%add3A_137], %gather3A_111 {add = true} : memref<40000xf32, #tpu.memory_space<vmem>>[vector<16xi32>], vector<16xf32>,
        %add3A_138 = arith.constant 2 : i32
        %add3A_139 = vector.broadcast %add3A_138 : i32 to vector<16xi32>
        %add3A_140 = arith.addi %mul3A_88, %add3A_139 : vector<16xi32>
        tpu.vector_store_idx %arg9[%add3A_140], %gather3A_115 {add = true} : memref<40000xf32, #tpu.memory_space<vmem>>[vector<16xi32>], vector<16xf32>,
        %add3A_141 = arith.constant 3 : i32
        %add3A_142 = vector.broadcast %add3A_141 : i32 to vector<16xi32>
        %add3A_143 = arith.addi %mul3A_88, %add3A_142 : vector<16xi32>
        tpu.vector_store_idx %arg9[%add3A_143], %gather3A_119 {add = true} : memref<40000xf32, #tpu.memory_space<vmem>>[vector<16xi32>], vector<16xf32>,
        %scan3A_144 = arith.constant 1 : i32
        %scan3A_145 = arith.addi %scan3A_55, %scan3A_144 : i32
        %mul3A_146 = arith.constant 1 : i32
        %mul3A_147 = arith.muli %scan3A_145, %mul3A_146 : i32
        %add3A_148 = arith.constant 0 : i32
        %add3A_149 = arith.addi %add3A_148, %mul3A_147 : i32
        %mul3A_150 = arith.constant 32 : i32
        %mul3A_151 = arith.muli %add3A_149, %mul3A_150 : i32
        %add3A_152 = arith.constant 0 : i32
        %add3A_153 = arith.addi %mul3A_151, %add3A_152 : i32
        %get3A_154 = arith.index_cast %add3A_153 : i32 to index
        %get3A_155 = tpu.vector_load %arg12[%get3A_154] {strides = array<i32>} : memref<8000xi32, #tpu.memory_space<vmem>>, vector<16xi32>,
        %add3A_156 = arith.constant 16 : i32
        %add3A_157 = arith.addi %mul3A_151, %add3A_156 : i32
        %get3A_158 = arith.index_cast %add3A_157 : i32 to index
        %get3A_159 = tpu.vector_load %arg12[%get3A_158] {strides = array<i32>} : memref<8000xi32, #tpu.memory_space<vmem>>, vector<16xi32>,
        %add3A_160 = arith.constant 0 : i32
        %add3A_161 = arith.addi %mul3A_151, %add3A_160 : i32
        %get3A_162 = arith.index_cast %add3A_161 : i32 to index
        %get3A_163 = tpu.vector_load %arg13[%get3A_162] {strides = array<i32>} : memref<8000xi32, #tpu.memory_space<vmem>>, vector<16xi32>,
        %add3A_164 = arith.constant 16 : i32
        %add3A_165 = arith.addi %mul3A_151, %add3A_164 : i32
        %get3A_166 = arith.index_cast %add3A_165 : i32 to index
        %get3A_167 = tpu.vector_load %arg13[%get3A_166] {strides = array<i32>} : memref<8000xi32, #tpu.memory_space<vmem>>, vector<16xi32>,
        %mul3A_168 = arith.constant 4 : i32
        %mul3A_169 = vector.broadcast %mul3A_168 : i32 to vector<16xi32>
        %mul3A_170 = arith.muli %get3A_155, %mul3A_169 : vector<16xi32>
        %mul3A_171 = arith.constant 4 : i32
        %mul3A_172 = vector.broadcast %mul3A_171 : i32 to vector<16xi32>
        %mul3A_173 = arith.muli %get3A_159, %mul3A_172 : vector<16xi32>
        %mul3A_174 = arith.constant 4 : i32
        %mul3A_175 = vector.broadcast %mul3A_174 : i32 to vector<16xi32>
        %mul3A_176 = arith.muli %get3A_163, %mul3A_175 : vector<16xi32>
        %mul3A_177 = arith.constant 4 : i32
        %mul3A_178 = vector.broadcast %mul3A_177 : i32 to vector<16xi32>
        %mul3A_179 = arith.muli %get3A_167, %mul3A_178 : vector<16xi32>
        %add3A_180 = arith.constant 0 : i32
        %add3A_181 = vector.broadcast %add3A_180 : i32 to vector<16xi32>
        %add3A_182 = arith.addi %mul3A_170, %add3A_181 : vector<16xi32>
        %gather3A_183 = tpu.vector_load_idx %arg8[%add3A_182] : memref<40000xf32, #tpu.memory_space<vmem>>[vector<16xi32>], vector<16xf32>,
        %add3A_184 = arith.constant 1 : i32
        %add3A_185 = vector.broadcast %add3A_184 : i32 to vector<16xi32>
        %add3A_186 = arith.addi %mul3A_170, %add3A_185 : vector<16xi32>
        %gather3A_187 = tpu.vector_load_idx %arg8[%add3A_186] : memref<40000xf32, #tpu.memory_space<vmem>>[vector<16xi32>], vector<16xf32>,
        %add3A_188 = arith.constant 2 : i32
        %add3A_189 = vector.broadcast %add3A_188 : i32 to vector<16xi32>
        %add3A_190 = arith.addi %mul3A_170, %add3A_189 : vector<16xi32>
        %gather3A_191 = tpu.vector_load_idx %arg8[%add3A_190] : memref<40000xf32, #tpu.memory_space<vmem>>[vector<16xi32>], vector<16xf32>,
        %add3A_192 = arith.constant 3 : i32
        %add3A_193 = vector.broadcast %add3A_192 : i32 to vector<16xi32>
        %add3A_194 = arith.addi %mul3A_170, %add3A_193 : vector<16xi32>
        %gather3A_195 = tpu.vector_load_idx %arg8[%add3A_194] : memref<40000xf32, #tpu.memory_space<vmem>>[vector<16xi32>], vector<16xf32>,
        %add3A_196 = arith.constant 0 : i32
        %add3A_197 = vector.broadcast %add3A_196 : i32 to vector<16xi32>
        %add3A_198 = arith.addi %mul3A_173, %add3A_197 : vector<16xi32>
        %gather3A_199 = tpu.vector_load_idx %arg8[%add3A_198] : memref<40000xf32, #tpu.memory_space<vmem>>[vector<16xi32>], vector<16xf32>,
        %add3A_200 = arith.constant 1 : i32
        %add3A_201 = vector.broadcast %add3A_200 : i32 to vector<16xi32>
        %add3A_202 = arith.addi %mul3A_173, %add3A_201 : vector<16xi32>
        %gather3A_203 = tpu.vector_load_idx %arg8[%add3A_202] : memref<40000xf32, #tpu.memory_space<vmem>>[vector<16xi32>], vector<16xf32>,
        %add3A_204 = arith.constant 2 : i32
        %add3A_205 = vector.broadcast %add3A_204 : i32 to vector<16xi32>
        %add3A_206 = arith.addi %mul3A_173, %add3A_205 : vector<16xi32>
        %gather3A_207 = tpu.vector_load_idx %arg8[%add3A_206] : memref<40000xf32, #tpu.memory_space<vmem>>[vector<16xi32>], vector<16xf32>,
        %add3A_208 = arith.constant 3 : i32
        %add3A_209 = vector.broadcast %add3A_208 : i32 to vector<16xi32>
        %add3A_210 = arith.addi %mul3A_173, %add3A_209 : vector<16xi32>
        %gather3A_211 = tpu.vector_load_idx %arg8[%add3A_210] : memref<40000xf32, #tpu.memory_space<vmem>>[vector<16xi32>], vector<16xf32>,
        %add3A_212 = arith.constant 0 : i32
        %add3A_213 = vector.broadcast %add3A_212 : i32 to vector<16xi32>
        %add3A_214 = arith.addi %mul3A_176, %add3A_213 : vector<16xi32>
        tpu.vector_store_idx %arg9[%add3A_214], %gather3A_183 {add = true} : memref<40000xf32, #tpu.memory_space<vmem>>[vector<16xi32>], vector<16xf32>,
        %add3A_215 = arith.constant 1 : i32
        %add3A_216 = vector.broadcast %add3A_215 : i32 to vector<16xi32>
        %add3A_217 = arith.addi %mul3A_176, %add3A_216 : vector<16xi32>
        tpu.vector_store_idx %arg9[%add3A_217], %gather3A_187 {add = true} : memref<40000xf32, #tpu.memory_space<vmem>>[vector<16xi32>], vector<16xf32>,
        %add3A_218 = arith.constant 2 : i32
        %add3A_219 = vector.broadcast %add3A_218 : i32 to vector<16xi32>
        %add3A_220 = arith.addi %mul3A_176, %add3A_219 : vector<16xi32>
        tpu.vector_store_idx %arg9[%add3A_220], %gather3A_191 {add = true} : memref<40000xf32, #tpu.memory_space<vmem>>[vector<16xi32>], vector<16xf32>,
        %add3A_221 = arith.constant 3 : i32
        %add3A_222 = vector.broadcast %add3A_221 : i32 to vector<16xi32>
        %add3A_223 = arith.addi %mul3A_176, %add3A_222 : vector<16xi32>
        tpu.vector_store_idx %arg9[%add3A_223], %gather3A_195 {add = true} : memref<40000xf32, #tpu.memory_space<vmem>>[vector<16xi32>], vector<16xf32>,
        %add3A_224 = arith.constant 0 : i32
        %add3A_225 = vector.broadcast %add3A_224 : i32 to vector<16xi32>
        %add3A_226 = arith.addi %mul3A_179, %add3A_225 : vector<16xi32>
        tpu.vector_store_idx %arg9[%add3A_226], %gather3A_199 {add = true} : memref<40000xf32, #tpu.memory_space<vmem>>[vector<16xi32>], vector<16xf32>,
        %add3A_227 = arith.constant 1 : i32
        %add3A_228 = vector.broadcast %add3A_227 : i32 to vector<16xi32>
        %add3A_229 = arith.addi %mul3A_179, %add3A_228 : vector<16xi32>
        tpu.vector_store_idx %arg9[%add3A_229], %gather3A_203 {add = true} : memref<40000xf32, #tpu.memory_space<vmem>>[vector<16xi32>], vector<16xf32>,
        %add3A_230 = arith.constant 2 : i32
        %add3A_231 = vector.broadcast %add3A_230 : i32 to vector<16xi32>
        %add3A_232 = arith.addi %mul3A_179, %add3A_231 : vector<16xi32>
        tpu.vector_store_idx %arg9[%add3A_232], %gather3A_207 {add = true} : memref<40000xf32, #tpu.memory_space<vmem>>[vector<16xi32>], vector<16xf32>,
        %add3A_233 = arith.constant 3 : i32
        %add3A_234 = vector.broadcast %add3A_233 : i32 to vector<16xi32>
        %add3A_235 = arith.addi %mul3A_179, %add3A_234 : vector<16xi32>
        tpu.vector_store_idx %arg9[%add3A_235], %gather3A_211 {add = true} : memref<40000xf32, #tpu.memory_space<vmem>>[vector<16xi32>], vector<16xf32>,
      }
      %scan3A_54 = arith.constant 250 : i32
    }
    %scan3A_22 = arith.constant 40 : i32
    %scan3A_23 = arith.constant 0 : i32
    %scan3A_24 = arith.constant 2500 : i32
    %scan3A_25 = arith.addi %scan3A_23, %scan3A_24 : i32
    %scan3A_26 = arith.constant 4 : i32
    scf.for %scan3A_38 = %scan3A_23 to %scan3A_25 step %scan3A_26  : i32 {
      %mul3A_39 = arith.constant 1 : i32
      %mul3A_40 = arith.muli %scan3A_38, %mul3A_39 : i32
      %add3A_41 = arith.constant 0 : i32
      %add3A_42 = arith.addi %add3A_41, %mul3A_40 : i32
      %mul3A_43 = arith.constant 16 : i32
      %mul3A_44 = arith.muli %add3A_42, %mul3A_43 : i32
      %add3A_45 = vector.broadcast %mul3A_44 : i32 to vector<16xi32>
      %add3A_46 = arith.addi %add3A_45, %iota3A : vector<16xi32>
      %shift_right_logical3A = arith.constant 2 : i32
      %shift_right_logical3A_47 = vector.broadcast %shift_right_logical3A : i32 to vector<16xi32>
      %shift_right_logical3A_48 = arith.shrui %add3A_46, %shift_right_logical3A_47 : vector<16xi32>
      %gather3A = tpu.vector_load_idx %arg10[%shift_right_logical3A_48] : memref<10000xf32, #tpu.memory_space<vmem>>[vector<16xi32>], vector<16xf32>,
      %get3A = arith.index_cast %mul3A_44 : i32 to index
      %get3A_49 = tpu.vector_load %arg9[%get3A] {strides = array<i32>} : memref<40000xf32, #tpu.memory_space<vmem>>, vector<16xf32>,
      %mul3A_50 = arith.mulf %get3A_49, %gather3A : vector<16xf32>
      %swap3A = arith.index_cast %mul3A_44 : i32 to index
      %swap3A_51 = tpu.vector_load %arg9[%swap3A] {strides = array<i32>} : memref<40000xf32, #tpu.memory_space<vmem>>, vector<16xf32>,
      tpu.vector_store %arg9[%swap3A], %mul3A_50 {strides = array<i32>} : memref<40000xf32, #tpu.memory_space<vmem>>, vector<16xf32>,
      %scan3A_52 = arith.constant 1 : i32
      %scan3A_53 = arith.addi %scan3A_38, %scan3A_52 : i32
      %mul3A_54 = arith.constant 1 : i32
      %mul3A_55 = arith.muli %scan3A_53, %mul3A_54 : i32
      %add3A_56 = arith.constant 0 : i32
      %add3A_57 = arith.addi %add3A_56, %mul3A_55 : i32
      %mul3A_58 = arith.constant 16 : i32
      %mul3A_59 = arith.muli %add3A_57, %mul3A_58 : i32
      %add3A_60 = vector.broadcast %mul3A_59 : i32 to vector<16xi32>
      %add3A_61 = arith.addi %add3A_60, %iota3A : vector<16xi32>
      %shift_right_logical3A_62 = arith.constant 2 : i32
      %shift_right_logical3A_63 = vector.broadcast %shift_right_logical3A_62 : i32 to vector<16xi32>
      %shift_right_logical3A_64 = arith.shrui %add3A_61, %shift_right_logical3A_63 : vector<16xi32>
      %gather3A_65 = tpu.vector_load_idx %arg10[%shift_right_logical3A_64] : memref<10000xf32, #tpu.memory_space<vmem>>[vector<16xi32>], vector<16xf32>,
      %get3A_66 = arith.index_cast %mul3A_59 : i32 to index
      %get3A_67 = tpu.vector_load %arg9[%get3A_66] {strides = array<i32>} : memref<40000xf32, #tpu.memory_space<vmem>>, vector<16xf32>,
      %mul3A_68 = arith.mulf %get3A_67, %gather3A_65 : vector<16xf32>
      %swap3A_69 = arith.index_cast %mul3A_59 : i32 to index
      %swap3A_70 = tpu.vector_load %arg9[%swap3A_69] {strides = array<i32>} : memref<40000xf32, #tpu.memory_space<vmem>>, vector<16xf32>,
      tpu.vector_store %arg9[%swap3A_69], %mul3A_68 {strides = array<i32>} : memref<40000xf32, #tpu.memory_space<vmem>>, vector<16xf32>,
      %scan3A_71 = arith.constant 2 : i32
      %scan3A_72 = arith.addi %scan3A_38, %scan3A_71 : i32
      %mul3A_73 = arith.constant 1 : i32
      %mul3A_74 = arith.muli %scan3A_72, %mul3A_73 : i32
      %add3A_75 = arith.constant 0 : i32
      %add3A_76 = arith.addi %add3A_75, %mul3A_74 : i32
      %mul3A_77 = arith.constant 16 : i32
      %mul3A_78 = arith.muli %add3A_76, %mul3A_77 : i32
      %add3A_79 = vector.broadcast %mul3A_78 : i32 to vector<16xi32>
      %add3A_80 = arith.addi %add3A_79, %iota3A : vector<16xi32>
      %shift_right_logical3A_81 = arith.constant 2 : i32
      %shift_right_logical3A_82 = vector.broadcast %shift_right_logical3A_81 : i32 to vector<16xi32>
      %shift_right_logical3A_83 = arith.shrui %add3A_80, %shift_right_logical3A_82 : vector<16xi32>
      %gather3A_84 = tpu.vector_load_idx %arg10[%shift_right_logical3A_83] : memref<10000xf32, #tpu.memory_space<vmem>>[vector<16xi32>], vector<16xf32>,
      %get3A_85 = arith.index_cast %mul3A_78 : i32 to index
      %get3A_86 = tpu.vector_load %arg9[%get3A_85] {strides = array<i32>} : memref<40000xf32, #tpu.memory_space<vmem>>, vector<16xf32>,
      %mul3A_87 = arith.mulf %get3A_86, %gather3A_84 : vector<16xf32>
      %swap3A_88 = arith.index_cast %mul3A_78 : i32 to index
      %swap3A_89 = tpu.vector_load %arg9[%swap3A_88] {strides = array<i32>} : memref<40000xf32, #tpu.memory_space<vmem>>, vector<16xf32>,
      tpu.vector_store %arg9[%swap3A_88], %mul3A_87 {strides = array<i32>} : memref<40000xf32, #tpu.memory_space<vmem>>, vector<16xf32>,
      %scan3A_90 = arith.constant 3 : i32
      %scan3A_91 = arith.addi %scan3A_38, %scan3A_90 : i32
      %mul3A_92 = arith.constant 1 : i32
      %mul3A_93 = arith.muli %scan3A_91, %mul3A_92 : i32
      %add3A_94 = arith.constant 0 : i32
      %add3A_95 = arith.addi %add3A_94, %mul3A_93 : i32
      %mul3A_96 = arith.constant 16 : i32
      %mul3A_97 = arith.muli %add3A_95, %mul3A_96 : i32
      %add3A_98 = vector.broadcast %mul3A_97 : i32 to vector<16xi32>
      %add3A_99 = arith.addi %add3A_98, %iota3A : vector<16xi32>
      %shift_right_logical3A_100 = arith.constant 2 : i32
      %shift_right_logical3A_101 = vector.broadcast %shift_right_logical3A_100 : i32 to vector<16xi32>
      %shift_right_logical3A_102 = arith.shrui %add3A_99, %shift_right_logical3A_101 : vector<16xi32>
      %gather3A_103 = tpu.vector_load_idx %arg10[%shift_right_logical3A_102] : memref<10000xf32, #tpu.memory_space<vmem>>[vector<16xi32>], vector<16xf32>,
      %get3A_104 = arith.index_cast %mul3A_97 : i32 to index
      %get3A_105 = tpu.vector_load %arg9[%get3A_104] {strides = array<i32>} : memref<40000xf32, #tpu.memory_space<vmem>>, vector<16xf32>,
      %mul3A_106 = arith.mulf %get3A_105, %gather3A_103 : vector<16xf32>
      %swap3A_107 = arith.index_cast %mul3A_97 : i32 to index
      %swap3A_108 = tpu.vector_load %arg9[%swap3A_107] {strides = array<i32>} : memref<40000xf32, #tpu.memory_space<vmem>>, vector<16xf32>,
      tpu.vector_store %arg9[%swap3A_107], %mul3A_106 {strides = array<i32>} : memref<40000xf32, #tpu.memory_space<vmem>>, vector<16xf32>,
    }
    %scan3A_27 = arith.constant 2500 : i32
    %scan3A_28 = arith.constant 0 : i32
    %scan3A_29 = arith.constant 40 : i32
    %scan3A_30 = arith.addi %scan3A_28, %scan3A_29 : i32
    %scan3A_31 = arith.constant 1 : i32
    scf.for %scan3A_38 = %scan3A_28 to %scan3A_30 step %scan3A_31  : i32 {
      %mul3A_39 = arith.constant 1 : i32
      %mul3A_40 = arith.muli %scan3A_38, %mul3A_39 : i32
      %add3A_41 = arith.constant 0 : i32
      %add3A_42 = arith.addi %add3A_41, %mul3A_40 : i32
      %add3A_43 = arith.addi %add3A_42, %select_n3A : i32
      %ge3A = arith.constant 40 : i32
      %ge3A_44 = arith.cmpi sge, %add3A_43, %ge3A : i32
      %sub3A_45 = arith.constant 40 : i32
      %sub3A_46 = arith.subi %add3A_43, %sub3A_45 : i32
      %select_n3A_47 = arith.select %ge3A_44, %sub3A_46, %add3A_43 : i32
      %mul3A_48 = arith.constant 8000 : i32
      %mul3A_49 = arith.muli %select_n3A_47, %mul3A_48 : i32
      "tpu.region"() ({
        %run_scoped3A = tpu.sem_alloc : memref<!tpu.dma_semaphore, #tpu.memory_space<semaphore_mem>>
        %dma_start3A = tpu.memref_slice %arg3[%mul3A_49] : memref<320000xi32, #tpu.memory_space<hbm>> -> memref<8000xi32, #tpu.memory_space<hbm>>
        %dma_start3A_55 = tpu.memref_slice %arg3[%mul3A_49] : memref<320000xi32, #tpu.memory_space<hbm>> -> memref<8000xi32, #tpu.memory_space<hbm>>
        tpu.enqueue_dma source(%dma_start3A_55 : memref<8000xi32, #tpu.memory_space<hbm>>) target(%arg12 : memref<8000xi32, #tpu.memory_space<vmem>>) target_semaphore(%run_scoped3A : memref<!tpu.dma_semaphore, #tpu.memory_space<semaphore_mem>>)
        %dma_wait3A = tpu.memref_slice %arg3[%mul3A_49] : memref<320000xi32, #tpu.memory_space<hbm>> -> memref<8000xi32, #tpu.memory_space<hbm>>
        %dma_wait3A_56 = tpu.memref_slice %arg3[%mul3A_49] : memref<320000xi32, #tpu.memory_space<hbm>> -> memref<8000xi32, #tpu.memory_space<hbm>>
        tpu.wait_dma2 semaphore(%run_scoped3A : memref<!tpu.dma_semaphore, #tpu.memory_space<semaphore_mem>>) src(%dma_wait3A_56 : memref<8000xi32, #tpu.memory_space<hbm>>) dst(%arg12 : memref<8000xi32, #tpu.memory_space<vmem>>)
        tpu.yield
      }) : () -> ()
      "tpu.region"() ({
        %run_scoped3A = tpu.sem_alloc : memref<!tpu.dma_semaphore, #tpu.memory_space<semaphore_mem>>
        %dma_start3A = tpu.memref_slice %arg4[%mul3A_49] : memref<320000xi32, #tpu.memory_space<hbm>> -> memref<8000xi32, #tpu.memory_space<hbm>>
        %dma_start3A_55 = tpu.memref_slice %arg4[%mul3A_49] : memref<320000xi32, #tpu.memory_space<hbm>> -> memref<8000xi32, #tpu.memory_space<hbm>>
        tpu.enqueue_dma source(%dma_start3A_55 : memref<8000xi32, #tpu.memory_space<hbm>>) target(%arg13 : memref<8000xi32, #tpu.memory_space<vmem>>) target_semaphore(%run_scoped3A : memref<!tpu.dma_semaphore, #tpu.memory_space<semaphore_mem>>)
        %dma_wait3A = tpu.memref_slice %arg4[%mul3A_49] : memref<320000xi32, #tpu.memory_space<hbm>> -> memref<8000xi32, #tpu.memory_space<hbm>>
        %dma_wait3A_56 = tpu.memref_slice %arg4[%mul3A_49] : memref<320000xi32, #tpu.memory_space<hbm>> -> memref<8000xi32, #tpu.memory_space<hbm>>
        tpu.wait_dma2 semaphore(%run_scoped3A : memref<!tpu.dma_semaphore, #tpu.memory_space<semaphore_mem>>) src(%dma_wait3A_56 : memref<8000xi32, #tpu.memory_space<hbm>>) dst(%arg13 : memref<8000xi32, #tpu.memory_space<vmem>>)
        tpu.yield
      }) : () -> ()
      %scan3A_50 = arith.constant 0 : i32
      %scan3A_51 = arith.constant 250 : i32
      %scan3A_52 = arith.addi %scan3A_50, %scan3A_51 : i32
      %scan3A_53 = arith.constant 2 : i32
      scf.for %scan3A_55 = %scan3A_50 to %scan3A_52 step %scan3A_53  : i32 {
        %mul3A_56 = arith.constant 1 : i32
        %mul3A_57 = arith.muli %scan3A_55, %mul3A_56 : i32
        %add3A_58 = arith.constant 0 : i32
        %add3A_59 = arith.addi %add3A_58, %mul3A_57 : i32
        %mul3A_60 = arith.constant 32 : i32
        %mul3A_61 = arith.muli %add3A_59, %mul3A_60 : i32
        %add3A_62 = arith.constant 0 : i32
        %add3A_63 = arith.addi %mul3A_61, %add3A_62 : i32
        %get3A = arith.index_cast %add3A_63 : i32 to index
        %get3A_64 = tpu.vector_load %arg12[%get3A] {strides = array<i32>} : memref<8000xi32, #tpu.memory_space<vmem>>, vector<16xi32>,
        %add3A_65 = arith.constant 16 : i32
        %add3A_66 = arith.addi %mul3A_61, %add3A_65 : i32
        %get3A_67 = arith.index_cast %add3A_66 : i32 to index
        %get3A_68 = tpu.vector_load %arg12[%get3A_67] {strides = array<i32>} : memref<8000xi32, #tpu.memory_space<vmem>>, vector<16xi32>,
        %add3A_69 = arith.constant 0 : i32
        %add3A_70 = arith.addi %mul3A_61, %add3A_69 : i32
        %get3A_71 = arith.index_cast %add3A_70 : i32 to index
        %get3A_72 = tpu.vector_load %arg13[%get3A_71] {strides = array<i32>} : memref<8000xi32, #tpu.memory_space<vmem>>, vector<16xi32>,
        %add3A_73 = arith.constant 16 : i32
        %add3A_74 = arith.addi %mul3A_61, %add3A_73 : i32
        %get3A_75 = arith.index_cast %add3A_74 : i32 to index
        %get3A_76 = tpu.vector_load %arg13[%get3A_75] {strides = array<i32>} : memref<8000xi32, #tpu.memory_space<vmem>>, vector<16xi32>,
        %mul3A_77 = arith.constant 4 : i32
        %mul3A_78 = vector.broadcast %mul3A_77 : i32 to vector<16xi32>
        %mul3A_79 = arith.muli %get3A_64, %mul3A_78 : vector<16xi32>
        %mul3A_80 = arith.constant 4 : i32
        %mul3A_81 = vector.broadcast %mul3A_80 : i32 to vector<16xi32>
        %mul3A_82 = arith.muli %get3A_68, %mul3A_81 : vector<16xi32>
        %mul3A_83 = arith.constant 4 : i32
        %mul3A_84 = vector.broadcast %mul3A_83 : i32 to vector<16xi32>
        %mul3A_85 = arith.muli %get3A_72, %mul3A_84 : vector<16xi32>
        %mul3A_86 = arith.constant 4 : i32
        %mul3A_87 = vector.broadcast %mul3A_86 : i32 to vector<16xi32>
        %mul3A_88 = arith.muli %get3A_76, %mul3A_87 : vector<16xi32>
        %add3A_89 = arith.constant 0 : i32
        %add3A_90 = vector.broadcast %add3A_89 : i32 to vector<16xi32>
        %add3A_91 = arith.addi %mul3A_79, %add3A_90 : vector<16xi32>
        %gather3A = tpu.vector_load_idx %arg9[%add3A_91] : memref<40000xf32, #tpu.memory_space<vmem>>[vector<16xi32>], vector<16xf32>,
        %add3A_92 = arith.constant 1 : i32
        %add3A_93 = vector.broadcast %add3A_92 : i32 to vector<16xi32>
        %add3A_94 = arith.addi %mul3A_79, %add3A_93 : vector<16xi32>
        %gather3A_95 = tpu.vector_load_idx %arg9[%add3A_94] : memref<40000xf32, #tpu.memory_space<vmem>>[vector<16xi32>], vector<16xf32>,
        %add3A_96 = arith.constant 2 : i32
        %add3A_97 = vector.broadcast %add3A_96 : i32 to vector<16xi32>
        %add3A_98 = arith.addi %mul3A_79, %add3A_97 : vector<16xi32>
        %gather3A_99 = tpu.vector_load_idx %arg9[%add3A_98] : memref<40000xf32, #tpu.memory_space<vmem>>[vector<16xi32>], vector<16xf32>,
        %add3A_100 = arith.constant 3 : i32
        %add3A_101 = vector.broadcast %add3A_100 : i32 to vector<16xi32>
        %add3A_102 = arith.addi %mul3A_79, %add3A_101 : vector<16xi32>
        %gather3A_103 = tpu.vector_load_idx %arg9[%add3A_102] : memref<40000xf32, #tpu.memory_space<vmem>>[vector<16xi32>], vector<16xf32>,
        %add3A_104 = arith.constant 0 : i32
        %add3A_105 = vector.broadcast %add3A_104 : i32 to vector<16xi32>
        %add3A_106 = arith.addi %mul3A_82, %add3A_105 : vector<16xi32>
        %gather3A_107 = tpu.vector_load_idx %arg9[%add3A_106] : memref<40000xf32, #tpu.memory_space<vmem>>[vector<16xi32>], vector<16xf32>,
        %add3A_108 = arith.constant 1 : i32
        %add3A_109 = vector.broadcast %add3A_108 : i32 to vector<16xi32>
        %add3A_110 = arith.addi %mul3A_82, %add3A_109 : vector<16xi32>
        %gather3A_111 = tpu.vector_load_idx %arg9[%add3A_110] : memref<40000xf32, #tpu.memory_space<vmem>>[vector<16xi32>], vector<16xf32>,
        %add3A_112 = arith.constant 2 : i32
        %add3A_113 = vector.broadcast %add3A_112 : i32 to vector<16xi32>
        %add3A_114 = arith.addi %mul3A_82, %add3A_113 : vector<16xi32>
        %gather3A_115 = tpu.vector_load_idx %arg9[%add3A_114] : memref<40000xf32, #tpu.memory_space<vmem>>[vector<16xi32>], vector<16xf32>,
        %add3A_116 = arith.constant 3 : i32
        %add3A_117 = vector.broadcast %add3A_116 : i32 to vector<16xi32>
        %add3A_118 = arith.addi %mul3A_82, %add3A_117 : vector<16xi32>
        %gather3A_119 = tpu.vector_load_idx %arg9[%add3A_118] : memref<40000xf32, #tpu.memory_space<vmem>>[vector<16xi32>], vector<16xf32>,
        %add3A_120 = arith.constant 0 : i32
        %add3A_121 = vector.broadcast %add3A_120 : i32 to vector<16xi32>
        %add3A_122 = arith.addi %mul3A_85, %add3A_121 : vector<16xi32>
        tpu.vector_store_idx %arg8[%add3A_122], %gather3A {add = true} : memref<40000xf32, #tpu.memory_space<vmem>>[vector<16xi32>], vector<16xf32>,
        %add3A_123 = arith.constant 1 : i32
        %add3A_124 = vector.broadcast %add3A_123 : i32 to vector<16xi32>
        %add3A_125 = arith.addi %mul3A_85, %add3A_124 : vector<16xi32>
        tpu.vector_store_idx %arg8[%add3A_125], %gather3A_95 {add = true} : memref<40000xf32, #tpu.memory_space<vmem>>[vector<16xi32>], vector<16xf32>,
        %add3A_126 = arith.constant 2 : i32
        %add3A_127 = vector.broadcast %add3A_126 : i32 to vector<16xi32>
        %add3A_128 = arith.addi %mul3A_85, %add3A_127 : vector<16xi32>
        tpu.vector_store_idx %arg8[%add3A_128], %gather3A_99 {add = true} : memref<40000xf32, #tpu.memory_space<vmem>>[vector<16xi32>], vector<16xf32>,
        %add3A_129 = arith.constant 3 : i32
        %add3A_130 = vector.broadcast %add3A_129 : i32 to vector<16xi32>
        %add3A_131 = arith.addi %mul3A_85, %add3A_130 : vector<16xi32>
        tpu.vector_store_idx %arg8[%add3A_131], %gather3A_103 {add = true} : memref<40000xf32, #tpu.memory_space<vmem>>[vector<16xi32>], vector<16xf32>,
        %add3A_132 = arith.constant 0 : i32
        %add3A_133 = vector.broadcast %add3A_132 : i32 to vector<16xi32>
        %add3A_134 = arith.addi %mul3A_88, %add3A_133 : vector<16xi32>
        tpu.vector_store_idx %arg8[%add3A_134], %gather3A_107 {add = true} : memref<40000xf32, #tpu.memory_space<vmem>>[vector<16xi32>], vector<16xf32>,
        %add3A_135 = arith.constant 1 : i32
        %add3A_136 = vector.broadcast %add3A_135 : i32 to vector<16xi32>
        %add3A_137 = arith.addi %mul3A_88, %add3A_136 : vector<16xi32>
        tpu.vector_store_idx %arg8[%add3A_137], %gather3A_111 {add = true} : memref<40000xf32, #tpu.memory_space<vmem>>[vector<16xi32>], vector<16xf32>,
        %add3A_138 = arith.constant 2 : i32
        %add3A_139 = vector.broadcast %add3A_138 : i32 to vector<16xi32>
        %add3A_140 = arith.addi %mul3A_88, %add3A_139 : vector<16xi32>
        tpu.vector_store_idx %arg8[%add3A_140], %gather3A_115 {add = true} : memref<40000xf32, #tpu.memory_space<vmem>>[vector<16xi32>], vector<16xf32>,
        %add3A_141 = arith.constant 3 : i32
        %add3A_142 = vector.broadcast %add3A_141 : i32 to vector<16xi32>
        %add3A_143 = arith.addi %mul3A_88, %add3A_142 : vector<16xi32>
        tpu.vector_store_idx %arg8[%add3A_143], %gather3A_119 {add = true} : memref<40000xf32, #tpu.memory_space<vmem>>[vector<16xi32>], vector<16xf32>,
        %scan3A_144 = arith.constant 1 : i32
        %scan3A_145 = arith.addi %scan3A_55, %scan3A_144 : i32
        %mul3A_146 = arith.constant 1 : i32
        %mul3A_147 = arith.muli %scan3A_145, %mul3A_146 : i32
        %add3A_148 = arith.constant 0 : i32
        %add3A_149 = arith.addi %add3A_148, %mul3A_147 : i32
        %mul3A_150 = arith.constant 32 : i32
        %mul3A_151 = arith.muli %add3A_149, %mul3A_150 : i32
        %add3A_152 = arith.constant 0 : i32
        %add3A_153 = arith.addi %mul3A_151, %add3A_152 : i32
        %get3A_154 = arith.index_cast %add3A_153 : i32 to index
        %get3A_155 = tpu.vector_load %arg12[%get3A_154] {strides = array<i32>} : memref<8000xi32, #tpu.memory_space<vmem>>, vector<16xi32>,
        %add3A_156 = arith.constant 16 : i32
        %add3A_157 = arith.addi %mul3A_151, %add3A_156 : i32
        %get3A_158 = arith.index_cast %add3A_157 : i32 to index
        %get3A_159 = tpu.vector_load %arg12[%get3A_158] {strides = array<i32>} : memref<8000xi32, #tpu.memory_space<vmem>>, vector<16xi32>,
        %add3A_160 = arith.constant 0 : i32
        %add3A_161 = arith.addi %mul3A_151, %add3A_160 : i32
        %get3A_162 = arith.index_cast %add3A_161 : i32 to index
        %get3A_163 = tpu.vector_load %arg13[%get3A_162] {strides = array<i32>} : memref<8000xi32, #tpu.memory_space<vmem>>, vector<16xi32>,
        %add3A_164 = arith.constant 16 : i32
        %add3A_165 = arith.addi %mul3A_151, %add3A_164 : i32
        %get3A_166 = arith.index_cast %add3A_165 : i32 to index
        %get3A_167 = tpu.vector_load %arg13[%get3A_166] {strides = array<i32>} : memref<8000xi32, #tpu.memory_space<vmem>>, vector<16xi32>,
        %mul3A_168 = arith.constant 4 : i32
        %mul3A_169 = vector.broadcast %mul3A_168 : i32 to vector<16xi32>
        %mul3A_170 = arith.muli %get3A_155, %mul3A_169 : vector<16xi32>
        %mul3A_171 = arith.constant 4 : i32
        %mul3A_172 = vector.broadcast %mul3A_171 : i32 to vector<16xi32>
        %mul3A_173 = arith.muli %get3A_159, %mul3A_172 : vector<16xi32>
        %mul3A_174 = arith.constant 4 : i32
        %mul3A_175 = vector.broadcast %mul3A_174 : i32 to vector<16xi32>
        %mul3A_176 = arith.muli %get3A_163, %mul3A_175 : vector<16xi32>
        %mul3A_177 = arith.constant 4 : i32
        %mul3A_178 = vector.broadcast %mul3A_177 : i32 to vector<16xi32>
        %mul3A_179 = arith.muli %get3A_167, %mul3A_178 : vector<16xi32>
        %add3A_180 = arith.constant 0 : i32
        %add3A_181 = vector.broadcast %add3A_180 : i32 to vector<16xi32>
        %add3A_182 = arith.addi %mul3A_170, %add3A_181 : vector<16xi32>
        %gather3A_183 = tpu.vector_load_idx %arg9[%add3A_182] : memref<40000xf32, #tpu.memory_space<vmem>>[vector<16xi32>], vector<16xf32>,
        %add3A_184 = arith.constant 1 : i32
        %add3A_185 = vector.broadcast %add3A_184 : i32 to vector<16xi32>
        %add3A_186 = arith.addi %mul3A_170, %add3A_185 : vector<16xi32>
        %gather3A_187 = tpu.vector_load_idx %arg9[%add3A_186] : memref<40000xf32, #tpu.memory_space<vmem>>[vector<16xi32>], vector<16xf32>,
        %add3A_188 = arith.constant 2 : i32
        %add3A_189 = vector.broadcast %add3A_188 : i32 to vector<16xi32>
        %add3A_190 = arith.addi %mul3A_170, %add3A_189 : vector<16xi32>
        %gather3A_191 = tpu.vector_load_idx %arg9[%add3A_190] : memref<40000xf32, #tpu.memory_space<vmem>>[vector<16xi32>], vector<16xf32>,
        %add3A_192 = arith.constant 3 : i32
        %add3A_193 = vector.broadcast %add3A_192 : i32 to vector<16xi32>
        %add3A_194 = arith.addi %mul3A_170, %add3A_193 : vector<16xi32>
        %gather3A_195 = tpu.vector_load_idx %arg9[%add3A_194] : memref<40000xf32, #tpu.memory_space<vmem>>[vector<16xi32>], vector<16xf32>,
        %add3A_196 = arith.constant 0 : i32
        %add3A_197 = vector.broadcast %add3A_196 : i32 to vector<16xi32>
        %add3A_198 = arith.addi %mul3A_173, %add3A_197 : vector<16xi32>
        %gather3A_199 = tpu.vector_load_idx %arg9[%add3A_198] : memref<40000xf32, #tpu.memory_space<vmem>>[vector<16xi32>], vector<16xf32>,
        %add3A_200 = arith.constant 1 : i32
        %add3A_201 = vector.broadcast %add3A_200 : i32 to vector<16xi32>
        %add3A_202 = arith.addi %mul3A_173, %add3A_201 : vector<16xi32>
        %gather3A_203 = tpu.vector_load_idx %arg9[%add3A_202] : memref<40000xf32, #tpu.memory_space<vmem>>[vector<16xi32>], vector<16xf32>,
        %add3A_204 = arith.constant 2 : i32
        %add3A_205 = vector.broadcast %add3A_204 : i32 to vector<16xi32>
        %add3A_206 = arith.addi %mul3A_173, %add3A_205 : vector<16xi32>
        %gather3A_207 = tpu.vector_load_idx %arg9[%add3A_206] : memref<40000xf32, #tpu.memory_space<vmem>>[vector<16xi32>], vector<16xf32>,
        %add3A_208 = arith.constant 3 : i32
        %add3A_209 = vector.broadcast %add3A_208 : i32 to vector<16xi32>
        %add3A_210 = arith.addi %mul3A_173, %add3A_209 : vector<16xi32>
        %gather3A_211 = tpu.vector_load_idx %arg9[%add3A_210] : memref<40000xf32, #tpu.memory_space<vmem>>[vector<16xi32>], vector<16xf32>,
        %add3A_212 = arith.constant 0 : i32
        %add3A_213 = vector.broadcast %add3A_212 : i32 to vector<16xi32>
        %add3A_214 = arith.addi %mul3A_176, %add3A_213 : vector<16xi32>
        tpu.vector_store_idx %arg8[%add3A_214], %gather3A_183 {add = true} : memref<40000xf32, #tpu.memory_space<vmem>>[vector<16xi32>], vector<16xf32>,
        %add3A_215 = arith.constant 1 : i32
        %add3A_216 = vector.broadcast %add3A_215 : i32 to vector<16xi32>
        %add3A_217 = arith.addi %mul3A_176, %add3A_216 : vector<16xi32>
        tpu.vector_store_idx %arg8[%add3A_217], %gather3A_187 {add = true} : memref<40000xf32, #tpu.memory_space<vmem>>[vector<16xi32>], vector<16xf32>,
        %add3A_218 = arith.constant 2 : i32
        %add3A_219 = vector.broadcast %add3A_218 : i32 to vector<16xi32>
        %add3A_220 = arith.addi %mul3A_176, %add3A_219 : vector<16xi32>
        tpu.vector_store_idx %arg8[%add3A_220], %gather3A_191 {add = true} : memref<40000xf32, #tpu.memory_space<vmem>>[vector<16xi32>], vector<16xf32>,
        %add3A_221 = arith.constant 3 : i32
        %add3A_222 = vector.broadcast %add3A_221 : i32 to vector<16xi32>
        %add3A_223 = arith.addi %mul3A_176, %add3A_222 : vector<16xi32>
        tpu.vector_store_idx %arg8[%add3A_223], %gather3A_195 {add = true} : memref<40000xf32, #tpu.memory_space<vmem>>[vector<16xi32>], vector<16xf32>,
        %add3A_224 = arith.constant 0 : i32
        %add3A_225 = vector.broadcast %add3A_224 : i32 to vector<16xi32>
        %add3A_226 = arith.addi %mul3A_179, %add3A_225 : vector<16xi32>
        tpu.vector_store_idx %arg8[%add3A_226], %gather3A_199 {add = true} : memref<40000xf32, #tpu.memory_space<vmem>>[vector<16xi32>], vector<16xf32>,
        %add3A_227 = arith.constant 1 : i32
        %add3A_228 = vector.broadcast %add3A_227 : i32 to vector<16xi32>
        %add3A_229 = arith.addi %mul3A_179, %add3A_228 : vector<16xi32>
        tpu.vector_store_idx %arg8[%add3A_229], %gather3A_203 {add = true} : memref<40000xf32, #tpu.memory_space<vmem>>[vector<16xi32>], vector<16xf32>,
        %add3A_230 = arith.constant 2 : i32
        %add3A_231 = vector.broadcast %add3A_230 : i32 to vector<16xi32>
        %add3A_232 = arith.addi %mul3A_179, %add3A_231 : vector<16xi32>
        tpu.vector_store_idx %arg8[%add3A_232], %gather3A_207 {add = true} : memref<40000xf32, #tpu.memory_space<vmem>>[vector<16xi32>], vector<16xf32>,
        %add3A_233 = arith.constant 3 : i32
        %add3A_234 = vector.broadcast %add3A_233 : i32 to vector<16xi32>
        %add3A_235 = arith.addi %mul3A_179, %add3A_234 : vector<16xi32>
        tpu.vector_store_idx %arg8[%add3A_235], %gather3A_211 {add = true} : memref<40000xf32, #tpu.memory_space<vmem>>[vector<16xi32>], vector<16xf32>,
      }
      %scan3A_54 = arith.constant 250 : i32
    }
    %scan3A_32 = arith.constant 40 : i32
    %scan3A_33 = arith.constant 0 : i32
    %scan3A_34 = arith.constant 2500 : i32
    %scan3A_35 = arith.addi %scan3A_33, %scan3A_34 : i32
    %scan3A_36 = arith.constant 4 : i32
    scf.for %scan3A_38 = %scan3A_33 to %scan3A_35 step %scan3A_36  : i32 {
      %mul3A_39 = arith.constant 1 : i32
      %mul3A_40 = arith.muli %scan3A_38, %mul3A_39 : i32
      %add3A_41 = arith.constant 0 : i32
      %add3A_42 = arith.addi %add3A_41, %mul3A_40 : i32
      %mul3A_43 = arith.constant 16 : i32
      %mul3A_44 = arith.muli %add3A_42, %mul3A_43 : i32
      %add3A_45 = vector.broadcast %mul3A_44 : i32 to vector<16xi32>
      %add3A_46 = arith.addi %add3A_45, %iota3A : vector<16xi32>
      %shift_right_logical3A = arith.constant 2 : i32
      %shift_right_logical3A_47 = vector.broadcast %shift_right_logical3A : i32 to vector<16xi32>
      %shift_right_logical3A_48 = arith.shrui %add3A_46, %shift_right_logical3A_47 : vector<16xi32>
      %gather3A = tpu.vector_load_idx %arg11[%shift_right_logical3A_48] : memref<10000xf32, #tpu.memory_space<vmem>>[vector<16xi32>], vector<16xf32>,
      %get3A = arith.index_cast %mul3A_44 : i32 to index
      %get3A_49 = tpu.vector_load %arg8[%get3A] {strides = array<i32>} : memref<40000xf32, #tpu.memory_space<vmem>>, vector<16xf32>,
      %mul3A_50 = arith.mulf %get3A_49, %gather3A : vector<16xf32>
      %swap3A = arith.index_cast %mul3A_44 : i32 to index
      %swap3A_51 = tpu.vector_load %arg8[%swap3A] {strides = array<i32>} : memref<40000xf32, #tpu.memory_space<vmem>>, vector<16xf32>,
      tpu.vector_store %arg8[%swap3A], %mul3A_50 {strides = array<i32>} : memref<40000xf32, #tpu.memory_space<vmem>>, vector<16xf32>,
      %scan3A_52 = arith.constant 1 : i32
      %scan3A_53 = arith.addi %scan3A_38, %scan3A_52 : i32
      %mul3A_54 = arith.constant 1 : i32
      %mul3A_55 = arith.muli %scan3A_53, %mul3A_54 : i32
      %add3A_56 = arith.constant 0 : i32
      %add3A_57 = arith.addi %add3A_56, %mul3A_55 : i32
      %mul3A_58 = arith.constant 16 : i32
      %mul3A_59 = arith.muli %add3A_57, %mul3A_58 : i32
      %add3A_60 = vector.broadcast %mul3A_59 : i32 to vector<16xi32>
      %add3A_61 = arith.addi %add3A_60, %iota3A : vector<16xi32>
      %shift_right_logical3A_62 = arith.constant 2 : i32
      %shift_right_logical3A_63 = vector.broadcast %shift_right_logical3A_62 : i32 to vector<16xi32>
      %shift_right_logical3A_64 = arith.shrui %add3A_61, %shift_right_logical3A_63 : vector<16xi32>
      %gather3A_65 = tpu.vector_load_idx %arg11[%shift_right_logical3A_64] : memref<10000xf32, #tpu.memory_space<vmem>>[vector<16xi32>], vector<16xf32>,
      %get3A_66 = arith.index_cast %mul3A_59 : i32 to index
      %get3A_67 = tpu.vector_load %arg8[%get3A_66] {strides = array<i32>} : memref<40000xf32, #tpu.memory_space<vmem>>, vector<16xf32>,
      %mul3A_68 = arith.mulf %get3A_67, %gather3A_65 : vector<16xf32>
      %swap3A_69 = arith.index_cast %mul3A_59 : i32 to index
      %swap3A_70 = tpu.vector_load %arg8[%swap3A_69] {strides = array<i32>} : memref<40000xf32, #tpu.memory_space<vmem>>, vector<16xf32>,
      tpu.vector_store %arg8[%swap3A_69], %mul3A_68 {strides = array<i32>} : memref<40000xf32, #tpu.memory_space<vmem>>, vector<16xf32>,
      %scan3A_71 = arith.constant 2 : i32
      %scan3A_72 = arith.addi %scan3A_38, %scan3A_71 : i32
      %mul3A_73 = arith.constant 1 : i32
      %mul3A_74 = arith.muli %scan3A_72, %mul3A_73 : i32
      %add3A_75 = arith.constant 0 : i32
      %add3A_76 = arith.addi %add3A_75, %mul3A_74 : i32
      %mul3A_77 = arith.constant 16 : i32
      %mul3A_78 = arith.muli %add3A_76, %mul3A_77 : i32
      %add3A_79 = vector.broadcast %mul3A_78 : i32 to vector<16xi32>
      %add3A_80 = arith.addi %add3A_79, %iota3A : vector<16xi32>
      %shift_right_logical3A_81 = arith.constant 2 : i32
      %shift_right_logical3A_82 = vector.broadcast %shift_right_logical3A_81 : i32 to vector<16xi32>
      %shift_right_logical3A_83 = arith.shrui %add3A_80, %shift_right_logical3A_82 : vector<16xi32>
      %gather3A_84 = tpu.vector_load_idx %arg11[%shift_right_logical3A_83] : memref<10000xf32, #tpu.memory_space<vmem>>[vector<16xi32>], vector<16xf32>,
      %get3A_85 = arith.index_cast %mul3A_78 : i32 to index
      %get3A_86 = tpu.vector_load %arg8[%get3A_85] {strides = array<i32>} : memref<40000xf32, #tpu.memory_space<vmem>>, vector<16xf32>,
      %mul3A_87 = arith.mulf %get3A_86, %gather3A_84 : vector<16xf32>
      %swap3A_88 = arith.index_cast %mul3A_78 : i32 to index
      %swap3A_89 = tpu.vector_load %arg8[%swap3A_88] {strides = array<i32>} : memref<40000xf32, #tpu.memory_space<vmem>>, vector<16xf32>,
      tpu.vector_store %arg8[%swap3A_88], %mul3A_87 {strides = array<i32>} : memref<40000xf32, #tpu.memory_space<vmem>>, vector<16xf32>,
      %scan3A_90 = arith.constant 3 : i32
      %scan3A_91 = arith.addi %scan3A_38, %scan3A_90 : i32
      %mul3A_92 = arith.constant 1 : i32
      %mul3A_93 = arith.muli %scan3A_91, %mul3A_92 : i32
      %add3A_94 = arith.constant 0 : i32
      %add3A_95 = arith.addi %add3A_94, %mul3A_93 : i32
      %mul3A_96 = arith.constant 16 : i32
      %mul3A_97 = arith.muli %add3A_95, %mul3A_96 : i32
      %add3A_98 = vector.broadcast %mul3A_97 : i32 to vector<16xi32>
      %add3A_99 = arith.addi %add3A_98, %iota3A : vector<16xi32>
      %shift_right_logical3A_100 = arith.constant 2 : i32
      %shift_right_logical3A_101 = vector.broadcast %shift_right_logical3A_100 : i32 to vector<16xi32>
      %shift_right_logical3A_102 = arith.shrui %add3A_99, %shift_right_logical3A_101 : vector<16xi32>
      %gather3A_103 = tpu.vector_load_idx %arg11[%shift_right_logical3A_102] : memref<10000xf32, #tpu.memory_space<vmem>>[vector<16xi32>], vector<16xf32>,
      %get3A_104 = arith.index_cast %mul3A_97 : i32 to index
      %get3A_105 = tpu.vector_load %arg8[%get3A_104] {strides = array<i32>} : memref<40000xf32, #tpu.memory_space<vmem>>, vector<16xf32>,
      %mul3A_106 = arith.mulf %get3A_105, %gather3A_103 : vector<16xf32>
      %swap3A_107 = arith.index_cast %mul3A_97 : i32 to index
      %swap3A_108 = tpu.vector_load %arg8[%swap3A_107] {strides = array<i32>} : memref<40000xf32, #tpu.memory_space<vmem>>, vector<16xf32>,
      tpu.vector_store %arg8[%swap3A_107], %mul3A_106 {strides = array<i32>} : memref<40000xf32, #tpu.memory_space<vmem>>, vector<16xf32>,
    }
    %scan3A_37 = arith.constant 2500 : i32
    "tpu.region"() ({
      %run_scoped3A = tpu.sem_alloc : memref<!tpu.dma_semaphore, #tpu.memory_space<semaphore_mem>>
      %dma_start3A = arith.constant 0 : i32
      %dma_start3A_38 = tpu.memref_slice %arg7[%add3A, %dma_start3A] : memref<32x40000xf32, #tpu.memory_space<hbm>> -> memref<1x40000xf32, #tpu.memory_space<hbm>>
      %dma_start3A_39 = tpu.memref_squeeze %dma_start3A_38 : memref<1x40000xf32, #tpu.memory_space<hbm>> -> memref<40000xf32, #tpu.memory_space<hbm>>
      %dma_start3A_40 = arith.constant 0 : i32
      %dma_start3A_41 = tpu.memref_slice %arg7[%add3A, %dma_start3A_40] : memref<32x40000xf32, #tpu.memory_space<hbm>> -> memref<1x40000xf32, #tpu.memory_space<hbm>>
      %dma_start3A_42 = tpu.memref_squeeze %dma_start3A_41 : memref<1x40000xf32, #tpu.memory_space<hbm>> -> memref<40000xf32, #tpu.memory_space<hbm>>
      tpu.enqueue_dma source(%arg8 : memref<40000xf32, #tpu.memory_space<vmem>>) target(%dma_start3A_42 : memref<40000xf32, #tpu.memory_space<hbm>>) target_semaphore(%run_scoped3A : memref<!tpu.dma_semaphore, #tpu.memory_space<semaphore_mem>>)
      %dma_wait3A = arith.constant 0 : i32
      %dma_wait3A_43 = tpu.memref_slice %arg7[%add3A, %dma_wait3A] : memref<32x40000xf32, #tpu.memory_space<hbm>> -> memref<1x40000xf32, #tpu.memory_space<hbm>>
      %dma_wait3A_44 = tpu.memref_squeeze %dma_wait3A_43 : memref<1x40000xf32, #tpu.memory_space<hbm>> -> memref<40000xf32, #tpu.memory_space<hbm>>
      %dma_wait3A_45 = arith.constant 0 : i32
      %dma_wait3A_46 = tpu.memref_slice %arg7[%add3A, %dma_wait3A_45] : memref<32x40000xf32, #tpu.memory_space<hbm>> -> memref<1x40000xf32, #tpu.memory_space<hbm>>
      %dma_wait3A_47 = tpu.memref_squeeze %dma_wait3A_46 : memref<1x40000xf32, #tpu.memory_space<hbm>> -> memref<40000xf32, #tpu.memory_space<hbm>>
      tpu.wait_dma2 semaphore(%run_scoped3A : memref<!tpu.dma_semaphore, #tpu.memory_space<semaphore_mem>>) src(%arg8 : memref<40000xf32, #tpu.memory_space<vmem>>) dst(%dma_wait3A_47 : memref<40000xf32, #tpu.memory_space<hbm>>)
      tpu.yield
    }) : () -> ()
    return
  }
}

#map = affine_map<(d0, d1) -> (0)>
#map1 = affine_map<(d0, d1) -> (0, 0)>
module attributes {stable_mosaic.version = 14 : i64} {
  func.func @_deg_kernel(%arg0: i32, %arg1: i32, %arg2: memref<320000xi32, #tpu.memory_space<hbm>>, %arg3: memref<32x10000xf32, #tpu.memory_space<hbm>>, %arg4: memref<10000xf32, #tpu.memory_space<vmem>>, %arg5: memref<10000xi32, #tpu.memory_space<vmem>>) attributes {dimension_semantics = [#tpu.dimension_semantics<core_parallel>, #tpu.dimension_semantics<subcore_parallel>], iteration_bounds = array<i64: 2, 16>, scalar_prefetch = 0 : i64, scratch_operands = 2 : i64, tpu.core_type = #tpu.core_type<sc_vector_subcore>, window_params = [{transform_indices = #map}, {transform_indices = #map1}]} {
    %mul3A = arith.constant 2 : i32
    %mul3A_0 = arith.muli %arg1, %mul3A : i32
    %add3A = arith.addi %mul3A_0, %arg0 : i32
    %broadcast_in_dim3A = arith.constant 0.000000e+00 : f32
    %broadcast_in_dim3A_1 = vector.broadcast %broadcast_in_dim3A : f32 to vector<16xf32>
    %broadcast_in_dim3A_2 = arith.constant 1.000000e+00 : f32
    %broadcast_in_dim3A_3 = vector.broadcast %broadcast_in_dim3A_2 : f32 to vector<16xf32>
    %scan3A = arith.constant 0 : i32
    %scan3A_4 = arith.constant 624 : i32
    %scan3A_5 = arith.addi %scan3A, %scan3A_4 : i32
    %scan3A_6 = arith.constant 8 : i32
    scf.for %scan3A_33 = %scan3A to %scan3A_5 step %scan3A_6  : i32 {
      %mul3A_34 = arith.constant 1 : i32
      %mul3A_35 = arith.muli %scan3A_33, %mul3A_34 : i32
      %add3A_36 = arith.constant 0 : i32
      %add3A_37 = arith.addi %add3A_36, %mul3A_35 : i32
      %mul3A_38 = arith.constant 16 : i32
      %mul3A_39 = arith.muli %add3A_37, %mul3A_38 : i32
      %swap3A_40 = arith.index_cast %mul3A_39 : i32 to index
      %swap3A_41 = tpu.vector_load %arg4[%swap3A_40] {strides = array<i32>} : memref<10000xf32, #tpu.memory_space<vmem>>, vector<16xf32>,
      tpu.vector_store %arg4[%swap3A_40], %broadcast_in_dim3A_1 {strides = array<i32>} : memref<10000xf32, #tpu.memory_space<vmem>>, vector<16xf32>,
      %scan3A_42 = arith.constant 1 : i32
      %scan3A_43 = arith.addi %scan3A_33, %scan3A_42 : i32
      %mul3A_44 = arith.constant 1 : i32
      %mul3A_45 = arith.muli %scan3A_43, %mul3A_44 : i32
      %add3A_46 = arith.constant 0 : i32
      %add3A_47 = arith.addi %add3A_46, %mul3A_45 : i32
      %mul3A_48 = arith.constant 16 : i32
      %mul3A_49 = arith.muli %add3A_47, %mul3A_48 : i32
      %swap3A_50 = arith.index_cast %mul3A_49 : i32 to index
      %swap3A_51 = tpu.vector_load %arg4[%swap3A_50] {strides = array<i32>} : memref<10000xf32, #tpu.memory_space<vmem>>, vector<16xf32>,
      tpu.vector_store %arg4[%swap3A_50], %broadcast_in_dim3A_1 {strides = array<i32>} : memref<10000xf32, #tpu.memory_space<vmem>>, vector<16xf32>,
      %scan3A_52 = arith.constant 2 : i32
      %scan3A_53 = arith.addi %scan3A_33, %scan3A_52 : i32
      %mul3A_54 = arith.constant 1 : i32
      %mul3A_55 = arith.muli %scan3A_53, %mul3A_54 : i32
      %add3A_56 = arith.constant 0 : i32
      %add3A_57 = arith.addi %add3A_56, %mul3A_55 : i32
      %mul3A_58 = arith.constant 16 : i32
      %mul3A_59 = arith.muli %add3A_57, %mul3A_58 : i32
      %swap3A_60 = arith.index_cast %mul3A_59 : i32 to index
      %swap3A_61 = tpu.vector_load %arg4[%swap3A_60] {strides = array<i32>} : memref<10000xf32, #tpu.memory_space<vmem>>, vector<16xf32>,
      tpu.vector_store %arg4[%swap3A_60], %broadcast_in_dim3A_1 {strides = array<i32>} : memref<10000xf32, #tpu.memory_space<vmem>>, vector<16xf32>,
      %scan3A_62 = arith.constant 3 : i32
      %scan3A_63 = arith.addi %scan3A_33, %scan3A_62 : i32
      %mul3A_64 = arith.constant 1 : i32
      %mul3A_65 = arith.muli %scan3A_63, %mul3A_64 : i32
      %add3A_66 = arith.constant 0 : i32
      %add3A_67 = arith.addi %add3A_66, %mul3A_65 : i32
      %mul3A_68 = arith.constant 16 : i32
      %mul3A_69 = arith.muli %add3A_67, %mul3A_68 : i32
      %swap3A_70 = arith.index_cast %mul3A_69 : i32 to index
      %swap3A_71 = tpu.vector_load %arg4[%swap3A_70] {strides = array<i32>} : memref<10000xf32, #tpu.memory_space<vmem>>, vector<16xf32>,
      tpu.vector_store %arg4[%swap3A_70], %broadcast_in_dim3A_1 {strides = array<i32>} : memref<10000xf32, #tpu.memory_space<vmem>>, vector<16xf32>,
      %scan3A_72 = arith.constant 4 : i32
      %scan3A_73 = arith.addi %scan3A_33, %scan3A_72 : i32
      %mul3A_74 = arith.constant 1 : i32
      %mul3A_75 = arith.muli %scan3A_73, %mul3A_74 : i32
      %add3A_76 = arith.constant 0 : i32
      %add3A_77 = arith.addi %add3A_76, %mul3A_75 : i32
      %mul3A_78 = arith.constant 16 : i32
      %mul3A_79 = arith.muli %add3A_77, %mul3A_78 : i32
      %swap3A_80 = arith.index_cast %mul3A_79 : i32 to index
      %swap3A_81 = tpu.vector_load %arg4[%swap3A_80] {strides = array<i32>} : memref<10000xf32, #tpu.memory_space<vmem>>, vector<16xf32>,
      tpu.vector_store %arg4[%swap3A_80], %broadcast_in_dim3A_1 {strides = array<i32>} : memref<10000xf32, #tpu.memory_space<vmem>>, vector<16xf32>,
      %scan3A_82 = arith.constant 5 : i32
      %scan3A_83 = arith.addi %scan3A_33, %scan3A_82 : i32
      %mul3A_84 = arith.constant 1 : i32
      %mul3A_85 = arith.muli %scan3A_83, %mul3A_84 : i32
      %add3A_86 = arith.constant 0 : i32
      %add3A_87 = arith.addi %add3A_86, %mul3A_85 : i32
      %mul3A_88 = arith.constant 16 : i32
      %mul3A_89 = arith.muli %add3A_87, %mul3A_88 : i32
      %swap3A_90 = arith.index_cast %mul3A_89 : i32 to index
      %swap3A_91 = tpu.vector_load %arg4[%swap3A_90] {strides = array<i32>} : memref<10000xf32, #tpu.memory_space<vmem>>, vector<16xf32>,
      tpu.vector_store %arg4[%swap3A_90], %broadcast_in_dim3A_1 {strides = array<i32>} : memref<10000xf32, #tpu.memory_space<vmem>>, vector<16xf32>,
      %scan3A_92 = arith.constant 6 : i32
      %scan3A_93 = arith.addi %scan3A_33, %scan3A_92 : i32
      %mul3A_94 = arith.constant 1 : i32
      %mul3A_95 = arith.muli %scan3A_93, %mul3A_94 : i32
      %add3A_96 = arith.constant 0 : i32
      %add3A_97 = arith.addi %add3A_96, %mul3A_95 : i32
      %mul3A_98 = arith.constant 16 : i32
      %mul3A_99 = arith.muli %add3A_97, %mul3A_98 : i32
      %swap3A_100 = arith.index_cast %mul3A_99 : i32 to index
      %swap3A_101 = tpu.vector_load %arg4[%swap3A_100] {strides = array<i32>} : memref<10000xf32, #tpu.memory_space<vmem>>, vector<16xf32>,
      tpu.vector_store %arg4[%swap3A_100], %broadcast_in_dim3A_1 {strides = array<i32>} : memref<10000xf32, #tpu.memory_space<vmem>>, vector<16xf32>,
      %scan3A_102 = arith.constant 7 : i32
      %scan3A_103 = arith.addi %scan3A_33, %scan3A_102 : i32
      %mul3A_104 = arith.constant 1 : i32
      %mul3A_105 = arith.muli %scan3A_103, %mul3A_104 : i32
      %add3A_106 = arith.constant 0 : i32
      %add3A_107 = arith.addi %add3A_106, %mul3A_105 : i32
      %mul3A_108 = arith.constant 16 : i32
      %mul3A_109 = arith.muli %add3A_107, %mul3A_108 : i32
      %swap3A_110 = arith.index_cast %mul3A_109 : i32 to index
      %swap3A_111 = tpu.vector_load %arg4[%swap3A_110] {strides = array<i32>} : memref<10000xf32, #tpu.memory_space<vmem>>, vector<16xf32>,
      tpu.vector_store %arg4[%swap3A_110], %broadcast_in_dim3A_1 {strides = array<i32>} : memref<10000xf32, #tpu.memory_space<vmem>>, vector<16xf32>,
    }
    %scan3A_7 = arith.constant 624 : i32
    %scan3A_8 = arith.addi %scan3A, %scan3A_7 : i32
    %mul3A_9 = arith.constant 1 : i32
    %mul3A_10 = arith.muli %scan3A_8, %mul3A_9 : i32
    %add3A_11 = arith.constant 0 : i32
    %add3A_12 = arith.addi %add3A_11, %mul3A_10 : i32
    %mul3A_13 = arith.constant 16 : i32
    %mul3A_14 = arith.muli %add3A_12, %mul3A_13 : i32
    %swap3A = arith.index_cast %mul3A_14 : i32 to index
    %swap3A_15 = tpu.vector_load %arg4[%swap3A] {strides = array<i32>} : memref<10000xf32, #tpu.memory_space<vmem>>, vector<16xf32>,
    tpu.vector_store %arg4[%swap3A], %broadcast_in_dim3A_1 {strides = array<i32>} : memref<10000xf32, #tpu.memory_space<vmem>>, vector<16xf32>,
    %scan3A_16 = arith.constant 625 : i32
    %mul3A_17 = arith.constant 10000 : i32
    %mul3A_18 = arith.muli %add3A, %mul3A_17 : i32
    "tpu.region"() ({
      %run_scoped3A = tpu.sem_alloc : memref<!tpu.dma_semaphore, #tpu.memory_space<semaphore_mem>>
      %dma_start3A = tpu.memref_slice %arg2[%mul3A_18] : memref<320000xi32, #tpu.memory_space<hbm>> -> memref<10000xi32, #tpu.memory_space<hbm>>
      %dma_start3A_33 = tpu.memref_slice %arg2[%mul3A_18] : memref<320000xi32, #tpu.memory_space<hbm>> -> memref<10000xi32, #tpu.memory_space<hbm>>
      tpu.enqueue_dma source(%dma_start3A_33 : memref<10000xi32, #tpu.memory_space<hbm>>) target(%arg5 : memref<10000xi32, #tpu.memory_space<vmem>>) target_semaphore(%run_scoped3A : memref<!tpu.dma_semaphore, #tpu.memory_space<semaphore_mem>>)
      %dma_wait3A = tpu.memref_slice %arg2[%mul3A_18] : memref<320000xi32, #tpu.memory_space<hbm>> -> memref<10000xi32, #tpu.memory_space<hbm>>
      %dma_wait3A_34 = tpu.memref_slice %arg2[%mul3A_18] : memref<320000xi32, #tpu.memory_space<hbm>> -> memref<10000xi32, #tpu.memory_space<hbm>>
      tpu.wait_dma2 semaphore(%run_scoped3A : memref<!tpu.dma_semaphore, #tpu.memory_space<semaphore_mem>>) src(%dma_wait3A_34 : memref<10000xi32, #tpu.memory_space<hbm>>) dst(%arg5 : memref<10000xi32, #tpu.memory_space<vmem>>)
      tpu.yield
    }) : () -> ()
    %scan3A_19 = arith.constant 0 : i32
    %scan3A_20 = arith.constant 624 : i32
    %scan3A_21 = arith.addi %scan3A_19, %scan3A_20 : i32
    %scan3A_22 = arith.constant 8 : i32
    scf.for %scan3A_33 = %scan3A_19 to %scan3A_21 step %scan3A_22  : i32 {
      %mul3A_34 = arith.constant 1 : i32
      %mul3A_35 = arith.muli %scan3A_33, %mul3A_34 : i32
      %add3A_36 = arith.constant 0 : i32
      %add3A_37 = arith.addi %add3A_36, %mul3A_35 : i32
      %mul3A_38 = arith.constant 16 : i32
      %mul3A_39 = arith.muli %add3A_37, %mul3A_38 : i32
      %get3A_40 = arith.index_cast %mul3A_39 : i32 to index
      %get3A_41 = tpu.vector_load %arg5[%get3A_40] {strides = array<i32>} : memref<10000xi32, #tpu.memory_space<vmem>>, vector<16xi32>,
      tpu.vector_store_idx %arg4[%get3A_41], %broadcast_in_dim3A_3 {add = true} : memref<10000xf32, #tpu.memory_space<vmem>>[vector<16xi32>], vector<16xf32>,
      %scan3A_42 = arith.constant 1 : i32
      %scan3A_43 = arith.addi %scan3A_33, %scan3A_42 : i32
      %mul3A_44 = arith.constant 1 : i32
      %mul3A_45 = arith.muli %scan3A_43, %mul3A_44 : i32
      %add3A_46 = arith.constant 0 : i32
      %add3A_47 = arith.addi %add3A_46, %mul3A_45 : i32
      %mul3A_48 = arith.constant 16 : i32
      %mul3A_49 = arith.muli %add3A_47, %mul3A_48 : i32
      %get3A_50 = arith.index_cast %mul3A_49 : i32 to index
      %get3A_51 = tpu.vector_load %arg5[%get3A_50] {strides = array<i32>} : memref<10000xi32, #tpu.memory_space<vmem>>, vector<16xi32>,
      tpu.vector_store_idx %arg4[%get3A_51], %broadcast_in_dim3A_3 {add = true} : memref<10000xf32, #tpu.memory_space<vmem>>[vector<16xi32>], vector<16xf32>,
      %scan3A_52 = arith.constant 2 : i32
      %scan3A_53 = arith.addi %scan3A_33, %scan3A_52 : i32
      %mul3A_54 = arith.constant 1 : i32
      %mul3A_55 = arith.muli %scan3A_53, %mul3A_54 : i32
      %add3A_56 = arith.constant 0 : i32
      %add3A_57 = arith.addi %add3A_56, %mul3A_55 : i32
      %mul3A_58 = arith.constant 16 : i32
      %mul3A_59 = arith.muli %add3A_57, %mul3A_58 : i32
      %get3A_60 = arith.index_cast %mul3A_59 : i32 to index
      %get3A_61 = tpu.vector_load %arg5[%get3A_60] {strides = array<i32>} : memref<10000xi32, #tpu.memory_space<vmem>>, vector<16xi32>,
      tpu.vector_store_idx %arg4[%get3A_61], %broadcast_in_dim3A_3 {add = true} : memref<10000xf32, #tpu.memory_space<vmem>>[vector<16xi32>], vector<16xf32>,
      %scan3A_62 = arith.constant 3 : i32
      %scan3A_63 = arith.addi %scan3A_33, %scan3A_62 : i32
      %mul3A_64 = arith.constant 1 : i32
      %mul3A_65 = arith.muli %scan3A_63, %mul3A_64 : i32
      %add3A_66 = arith.constant 0 : i32
      %add3A_67 = arith.addi %add3A_66, %mul3A_65 : i32
      %mul3A_68 = arith.constant 16 : i32
      %mul3A_69 = arith.muli %add3A_67, %mul3A_68 : i32
      %get3A_70 = arith.index_cast %mul3A_69 : i32 to index
      %get3A_71 = tpu.vector_load %arg5[%get3A_70] {strides = array<i32>} : memref<10000xi32, #tpu.memory_space<vmem>>, vector<16xi32>,
      tpu.vector_store_idx %arg4[%get3A_71], %broadcast_in_dim3A_3 {add = true} : memref<10000xf32, #tpu.memory_space<vmem>>[vector<16xi32>], vector<16xf32>,
      %scan3A_72 = arith.constant 4 : i32
      %scan3A_73 = arith.addi %scan3A_33, %scan3A_72 : i32
      %mul3A_74 = arith.constant 1 : i32
      %mul3A_75 = arith.muli %scan3A_73, %mul3A_74 : i32
      %add3A_76 = arith.constant 0 : i32
      %add3A_77 = arith.addi %add3A_76, %mul3A_75 : i32
      %mul3A_78 = arith.constant 16 : i32
      %mul3A_79 = arith.muli %add3A_77, %mul3A_78 : i32
      %get3A_80 = arith.index_cast %mul3A_79 : i32 to index
      %get3A_81 = tpu.vector_load %arg5[%get3A_80] {strides = array<i32>} : memref<10000xi32, #tpu.memory_space<vmem>>, vector<16xi32>,
      tpu.vector_store_idx %arg4[%get3A_81], %broadcast_in_dim3A_3 {add = true} : memref<10000xf32, #tpu.memory_space<vmem>>[vector<16xi32>], vector<16xf32>,
      %scan3A_82 = arith.constant 5 : i32
      %scan3A_83 = arith.addi %scan3A_33, %scan3A_82 : i32
      %mul3A_84 = arith.constant 1 : i32
      %mul3A_85 = arith.muli %scan3A_83, %mul3A_84 : i32
      %add3A_86 = arith.constant 0 : i32
      %add3A_87 = arith.addi %add3A_86, %mul3A_85 : i32
      %mul3A_88 = arith.constant 16 : i32
      %mul3A_89 = arith.muli %add3A_87, %mul3A_88 : i32
      %get3A_90 = arith.index_cast %mul3A_89 : i32 to index
      %get3A_91 = tpu.vector_load %arg5[%get3A_90] {strides = array<i32>} : memref<10000xi32, #tpu.memory_space<vmem>>, vector<16xi32>,
      tpu.vector_store_idx %arg4[%get3A_91], %broadcast_in_dim3A_3 {add = true} : memref<10000xf32, #tpu.memory_space<vmem>>[vector<16xi32>], vector<16xf32>,
      %scan3A_92 = arith.constant 6 : i32
      %scan3A_93 = arith.addi %scan3A_33, %scan3A_92 : i32
      %mul3A_94 = arith.constant 1 : i32
      %mul3A_95 = arith.muli %scan3A_93, %mul3A_94 : i32
      %add3A_96 = arith.constant 0 : i32
      %add3A_97 = arith.addi %add3A_96, %mul3A_95 : i32
      %mul3A_98 = arith.constant 16 : i32
      %mul3A_99 = arith.muli %add3A_97, %mul3A_98 : i32
      %get3A_100 = arith.index_cast %mul3A_99 : i32 to index
      %get3A_101 = tpu.vector_load %arg5[%get3A_100] {strides = array<i32>} : memref<10000xi32, #tpu.memory_space<vmem>>, vector<16xi32>,
      tpu.vector_store_idx %arg4[%get3A_101], %broadcast_in_dim3A_3 {add = true} : memref<10000xf32, #tpu.memory_space<vmem>>[vector<16xi32>], vector<16xf32>,
      %scan3A_102 = arith.constant 7 : i32
      %scan3A_103 = arith.addi %scan3A_33, %scan3A_102 : i32
      %mul3A_104 = arith.constant 1 : i32
      %mul3A_105 = arith.muli %scan3A_103, %mul3A_104 : i32
      %add3A_106 = arith.constant 0 : i32
      %add3A_107 = arith.addi %add3A_106, %mul3A_105 : i32
      %mul3A_108 = arith.constant 16 : i32
      %mul3A_109 = arith.muli %add3A_107, %mul3A_108 : i32
      %get3A_110 = arith.index_cast %mul3A_109 : i32 to index
      %get3A_111 = tpu.vector_load %arg5[%get3A_110] {strides = array<i32>} : memref<10000xi32, #tpu.memory_space<vmem>>, vector<16xi32>,
      tpu.vector_store_idx %arg4[%get3A_111], %broadcast_in_dim3A_3 {add = true} : memref<10000xf32, #tpu.memory_space<vmem>>[vector<16xi32>], vector<16xf32>,
    }
    %scan3A_23 = arith.constant 624 : i32
    %scan3A_24 = arith.addi %scan3A_19, %scan3A_23 : i32
    %mul3A_25 = arith.constant 1 : i32
    %mul3A_26 = arith.muli %scan3A_24, %mul3A_25 : i32
    %add3A_27 = arith.constant 0 : i32
    %add3A_28 = arith.addi %add3A_27, %mul3A_26 : i32
    %mul3A_29 = arith.constant 16 : i32
    %mul3A_30 = arith.muli %add3A_28, %mul3A_29 : i32
    %get3A = arith.index_cast %mul3A_30 : i32 to index
    %get3A_31 = tpu.vector_load %arg5[%get3A] {strides = array<i32>} : memref<10000xi32, #tpu.memory_space<vmem>>, vector<16xi32>,
    tpu.vector_store_idx %arg4[%get3A_31], %broadcast_in_dim3A_3 {add = true} : memref<10000xf32, #tpu.memory_space<vmem>>[vector<16xi32>], vector<16xf32>,
    %scan3A_32 = arith.constant 625 : i32
    "tpu.region"() ({
      %run_scoped3A = tpu.sem_alloc : memref<!tpu.dma_semaphore, #tpu.memory_space<semaphore_mem>>
      %dma_start3A = arith.constant 0 : i32
      %dma_start3A_33 = tpu.memref_slice %arg3[%add3A, %dma_start3A] : memref<32x10000xf32, #tpu.memory_space<hbm>> -> memref<1x10000xf32, #tpu.memory_space<hbm>>
      %dma_start3A_34 = tpu.memref_squeeze %dma_start3A_33 : memref<1x10000xf32, #tpu.memory_space<hbm>> -> memref<10000xf32, #tpu.memory_space<hbm>>
      %dma_start3A_35 = arith.constant 0 : i32
      %dma_start3A_36 = tpu.memref_slice %arg3[%add3A, %dma_start3A_35] : memref<32x10000xf32, #tpu.memory_space<hbm>> -> memref<1x10000xf32, #tpu.memory_space<hbm>>
      %dma_start3A_37 = tpu.memref_squeeze %dma_start3A_36 : memref<1x10000xf32, #tpu.memory_space<hbm>> -> memref<10000xf32, #tpu.memory_space<hbm>>
      tpu.enqueue_dma source(%arg4 : memref<10000xf32, #tpu.memory_space<vmem>>) target(%dma_start3A_37 : memref<10000xf32, #tpu.memory_space<hbm>>) target_semaphore(%run_scoped3A : memref<!tpu.dma_semaphore, #tpu.memory_space<semaphore_mem>>)
      %dma_wait3A = arith.constant 0 : i32
      %dma_wait3A_38 = tpu.memref_slice %arg3[%add3A, %dma_wait3A] : memref<32x10000xf32, #tpu.memory_space<hbm>> -> memref<1x10000xf32, #tpu.memory_space<hbm>>
      %dma_wait3A_39 = tpu.memref_squeeze %dma_wait3A_38 : memref<1x10000xf32, #tpu.memory_space<hbm>> -> memref<10000xf32, #tpu.memory_space<hbm>>
      %dma_wait3A_40 = arith.constant 0 : i32
      %dma_wait3A_41 = tpu.memref_slice %arg3[%add3A, %dma_wait3A_40] : memref<32x10000xf32, #tpu.memory_space<hbm>> -> memref<1x10000xf32, #tpu.memory_space<hbm>>
      %dma_wait3A_42 = tpu.memref_squeeze %dma_wait3A_41 : memref<1x10000xf32, #tpu.memory_space<hbm>> -> memref<10000xf32, #tpu.memory_space<hbm>>
      tpu.wait_dma2 semaphore(%run_scoped3A : memref<!tpu.dma_semaphore, #tpu.memory_space<semaphore_mem>>) src(%arg4 : memref<10000xf32, #tpu.memory_space<vmem>>) dst(%dma_wait3A_42 : memref<10000xf32, #tpu.memory_space<hbm>>)
      tpu.yield
    }) : () -> ()
    return
  }
}

module attributes {stable_mosaic.version = 14 : i64} {
  func.func @_prep_body(%arg0: i32, %arg1: memref<1000x128xf32, #tpu.memory_space<vmem>>, %arg2: memref<128x128xf32, #tpu.memory_space<vmem>>, %arg3: memref<1x128xf32, #tpu.memory_space<vmem>>, %arg4: memref<1000x32xf32, #tpu.memory_space<vmem>>, %arg5: memref<1000x128xf32, #tpu.memory_space<vmem>>, %arg6: memref<1000x1xf32, #tpu.memory_space<vmem>>, %arg7: memref<1000x1xf32, #tpu.memory_space<vmem>>) attributes {dimension_semantics = [#tpu.dimension_semantics<arbitrary>], iteration_bounds = array<i64: 10>, scalar_prefetch = 0 : i64, scratch_operands = 0 : i64, tpu.core_type = #tpu.core_type<tc>, window_params = [{transform_indices = @transform_0, window_bounds = array<i64: 1000, 128>}, {pipeline_mode = #tpu.pipeline_mode<synchronous>, transform_indices = @transform_1, window_bounds = array<i64: 128, 128>}, {pipeline_mode = #tpu.pipeline_mode<synchronous>, transform_indices = @transform_2, window_bounds = array<i64: 1, 128>}, {transform_indices = @transform_3, window_bounds = array<i64: 1000, 32>}, {transform_indices = @transform_4, window_bounds = array<i64: 1000, 128>}, {transform_indices = @transform_5, window_bounds = array<i64: 1000, 1>}, {transform_indices = @transform_6, window_bounds = array<i64: 1000, 1>}]} {
    %get3A = arith.constant 0 : index
    %get3A_0 = arith.constant 0 : index
    %get3A_1 = vector.load %arg4[%get3A, %get3A_0] : memref<1000x32xf32, #tpu.memory_space<vmem>>, vector<1000x32xf32>
    %reduce_sum3A = arith.constant dense<0.000000e+00> : vector<1000xf32>
    %reduce_sum3A_2 = vector.multi_reduction <add>, %get3A_1, %reduce_sum3A [1] : vector<1000x32xf32> to vector<1000xf32>
    %broadcast_in_dim3A = vector.shape_cast %reduce_sum3A_2 : vector<1000xf32> to vector<1000x1xf32>
    %add3A = arith.constant 1.000000e+00 : f32
    %add3A_3 = vector.broadcast %add3A : f32 to vector<1000x1xf32>
    %add3A_4 = arith.addf %broadcast_in_dim3A, %add3A_3 : vector<1000x1xf32>
    %rsqrt3A = math.rsqrt %add3A_4 : vector<1000x1xf32>
    %get3A_5 = arith.constant 0 : index
    %get3A_6 = arith.constant 0 : index
    %get3A_7 = vector.load %arg1[%get3A_5, %get3A_6] : memref<1000x128xf32, #tpu.memory_space<vmem>>, vector<1000x128xf32>
    %get3A_8 = arith.constant 0 : index
    %get3A_9 = arith.constant 0 : index
    %get3A_10 = vector.load %arg2[%get3A_8, %get3A_9] : memref<128x128xf32, #tpu.memory_space<vmem>>, vector<128x128xf32>
    %dot_general3A = arith.constant dense<0.000000e+00> : vector<1000x128xf32>
    %dot_general3A_11 = tpu.matmul %get3A_7, %get3A_10, %dot_general3A {dimension_numbers = #tpu.dot_dimension_numbers<[1], [1], [0], [0], [0, 0, 1, 0], [], []>, transpose_lhs_hint = false} : vector<1000x128xf32>, vector<128x128xf32>, vector<1000x128xf32> -> vector<1000x128xf32>
    %get3A_12 = arith.constant 0 : index
    %get3A_13 = arith.constant 0 : index
    %get3A_14 = vector.load %arg3[%get3A_12, %get3A_13] : memref<1x128xf32, #tpu.memory_space<vmem>>, vector<1x128xf32>
    %add3A_15 = vector.broadcast %get3A_14 : vector<1x128xf32> to vector<1000x128xf32>
    %add3A_16 = arith.addf %dot_general3A_11, %add3A_15 : vector<1000x128xf32>
    %mul3A = vector.broadcast %rsqrt3A : vector<1000x1xf32> to vector<1000x128xf32>
    %mul3A_17 = arith.mulf %add3A_16, %mul3A : vector<1000x128xf32>
    %swap3A = arith.constant 0 : index
    %swap3A_18 = arith.constant 0 : index
    %swap3A_19 = vector.load %arg5[%swap3A, %swap3A_18] : memref<1000x128xf32, #tpu.memory_space<vmem>>, vector<1000x128xf32>
    tpu.vector_store %arg5[%swap3A, %swap3A_18], %mul3A_17 {strides = array<i32>} : memref<1000x128xf32, #tpu.memory_space<vmem>>, vector<1000x128xf32>,
    %mul3A_20 = arith.mulf %rsqrt3A, %rsqrt3A : vector<1000x1xf32>
    %swap3A_21 = arith.constant 0 : index
    %swap3A_22 = arith.constant 0 : index
    %swap3A_23 = vector.load %arg6[%swap3A_21, %swap3A_22] : memref<1000x1xf32, #tpu.memory_space<vmem>>, vector<1000x1xf32>
    tpu.vector_store %arg6[%swap3A_21, %swap3A_22], %mul3A_20 {strides = array<i32>} : memref<1000x1xf32, #tpu.memory_space<vmem>>, vector<1000x1xf32>,
    %swap3A_24 = arith.constant 0 : index
    %swap3A_25 = arith.constant 0 : index
    %swap3A_26 = vector.load %arg7[%swap3A_24, %swap3A_25] : memref<1000x1xf32, #tpu.memory_space<vmem>>, vector<1000x1xf32>
    tpu.vector_store %arg7[%swap3A_24, %swap3A_25], %rsqrt3A {strides = array<i32>} : memref<1000x1xf32, #tpu.memory_space<vmem>>, vector<1000x1xf32>,
    return
  }
  func.func @transform_0(%arg0: i32) -> (i32, i32) {
    %c0_i32 = arith.constant 0 : i32
    %c0_i32_0 = arith.constant 0 : i32
    return %arg0, %c0_i32 : i32, i32
  }
  func.func @transform_1(%arg0: i32) -> (i32, i32) {
    %c0_i32 = arith.constant 0 : i32
    %c0_i32_0 = arith.constant 0 : i32
    %c0_i32_1 = arith.constant 0 : i32
    return %c0_i32, %c0_i32_0 : i32, i32
  }
  func.func @transform_2(%arg0: i32) -> (i32, i32) {
    %c0_i32 = arith.constant 0 : i32
    %c0_i32_0 = arith.constant 0 : i32
    %c0_i32_1 = arith.constant 0 : i32
    return %c0_i32, %c0_i32_0 : i32, i32
  }
  func.func @transform_3(%arg0: i32) -> (i32, i32) {
    %c0_i32 = arith.constant 0 : i32
    %c0_i32_0 = arith.constant 0 : i32
    return %arg0, %c0_i32 : i32, i32
  }
  func.func @transform_4(%arg0: i32) -> (i32, i32) {
    %c0_i32 = arith.constant 0 : i32
    %c0_i32_0 = arith.constant 0 : i32
    return %arg0, %c0_i32 : i32, i32
  }
  func.func @transform_5(%arg0: i32) -> (i32, i32) {
    %c0_i32 = arith.constant 0 : i32
    %c0_i32_0 = arith.constant 0 : i32
    return %arg0, %c0_i32 : i32, i32
  }
  func.func @transform_6(%arg0: i32) -> (i32, i32) {
    %c0_i32 = arith.constant 0 : i32
    %c0_i32_0 = arith.constant 0 : i32
    return %arg0, %c0_i32 : i32, i32
  }
}

</mosaic_0001>

<sc_bundles>
// kernel: kernel.5.cloned.1.call-start
scs
__scs_entry_jumppad:
0x0: {  	(pc) =	sbr.rel $0x88, $3  }
0x1: {  	(tag) =	ssettag $0x0;
	lr =	simm.s32 $0x1  }
0x2: {  	[smem:$0x3F9D] =	sst lr;
	_ =	strace $0xD0000000  }
0x3: {  	_ = 	snop  }
0x4: {  	_ = 	snop  }
0x5: {  	_ = 	snop  }
0x6: {  	_ = 	snop  }
0x7: {  	_ = 	snop  }
__scs_overlays_trampoline_lowered:
0x8: {  	[smem:$0x3FAC] =	sst s0  }
0x9: {  	[smem:$0x3FAD] =	sst s1  }
0xa: {  	[smem:$0x3FAE] =	sst s2  }
0xb: {  	[smem:$0x3FAF] =	sst s3  }
0xc: {  	[smem:$0x3FB0] =	sst s4  }
0xd: {  	[smem:$0x3FB1] =	sst s5  }
0xe: {  	[smem:$0x3FB2] =	sst s6  }
0xf: {  	[smem:$0x3FB3] =	sst s7  }
0x10: {  	[smem:$0x3FB4] =	sst s8  }
0x11: {  	[smem:$0x3FB5] =	sst s9;
	s0 =	simm.s32 @!p0 $0x0  }
0x12: {  	s1 =	sld [smem:$0x3F9B];
	s0 =	simm.s32 @p0 $0x1  }
0x13: {  	[smem:$0x3FB6] =	sst s0;
	s0 =	simm.s32 @!p1 $0x0  }
0x14: {  	s2 =	sld [smem:$0x3F9A];
	s0 =	simm.s32 @p1 $0x1  }
0x15: {  	[smem:$0x3FB7] =	sst s0;
	s0 =	simm.s32 @!p2 $0x0  }
0x16: {  	s3 =	sld [smem:$0x3FDB];
	s0 =	simm.s32 @p2 $0x1  }
0x17: {  	s4 =	simm.s32 $0x1BF5;
	[smem:$0x3FB9] =	sst s0  }
0x18: {  	s0 =	sld [smem:$0x3F9C];
	_ =	swait.ge [sflag:s4], $0x0  }
0x19: {  	s7 =	sld [smem:$0x3F9D]  }
0x1a: {  	s8 =	sadd.s32 $0xFFFFE003, lr  }
0x1b: {  	s9 =	sadd.s32 $0xFFFFFEF7, lr;
	s5 =	simm.s32 $0xFFFFFFFF;
	p2 =	slt.u32 s8, $0xFFFFF086  }
0x1c: {  	p1 =	slt.u32 s9, $0xF7A;
	s5 =	simm.s32 @!p2 $0x0  }
0x1d: {  	s5 =	simm.s32 @p1 $0x1;
	p0 =	seq.s32 s7, s2  }
0x1e: {  	s7 =	smul.u32 @!p0 $0xF7A, s2;
	p2 =	seq.s32 @!p0 s5, $0x0  }
0x1f: {  	s9 =	smul.u32 $0xF7A, s1;
	s8 =	simm.s32 @!p0 $0x1BF5;
	p2 =	por !p2, p0  }
0x20: {  	[sflag:s8] =	ssyncset.s32 @!p0 $0xFFFFF086;
	s6 =	sadd.s32 @!p0 s3, s7;
	s7 =	simm.s32 @!p0 $0x108  }
0x21: {  	s3 =	sadd.s32 s3, s9;
	s6 =	sadd.s32 @!p0 $0x88, s6;
	s7 =	simm.s32 @p2 $0x1082  }
0x22: {  	[simem:s7], [sflag:s8] =	dma.local @!p0 [hbm:s6], $0xF7A  }
0x23: {  	s9 =	sor.u32 $0xD0000000, s2;
	s6 =	simm.s32 $0x108;
	_ =	swait.ge @!p0 [sflag:s8], $0x0  }
0x24: {  	s3 =	sadd.s32 $0x88, s3;
	s6 =	simm.s32 @!p1 $0x1082;
	[sflag:s4] =	ssyncset.s32 $0xFFFFF086  }
0x25: {  	[simem:s6], [sflag:s4] =	dma.local [hbm:s3], $0xF7A  }
0x26: {  	[smem:$0x3F9D] =	sst s1;
	(tag) =	ssettag s2;
	_ =	strace s9  }
0x27: {  	s1 =	sld [smem:$0x3FAD]  }
0x28: {  	s2 =	sld [smem:$0x3FAE]  }
0x29: {  	s4 =	sld [smem:$0x3FB0]  }
0x2a: {  	p0 =	seq.s32 s5, $0x0;
	s5 =	sld [smem:$0x3FB1]  }
0x2b: {  	s6 =	sld [smem:$0x3FB2]  }
0x2c: {  	s7 =	sld [smem:$0x3FB3]  }
0x2d: {  	s3 =	simm.s32 $0x108;
	s8 =	sld [smem:$0x3FB4]  }
0x2e: {  	s3 =	simm.s32 @!p0 $0x1082;
	s9 =	sld [smem:$0x3FB5]  }
0x2f: {  	lr =	sadd.s32 s0, s3;
	s0 =	sld [smem:$0x3FAC]  }
0x30: {  	s3 =	sld [smem:$0x3FAF]  }
0x31: {  	[smem:$0x3FB8] =	sst s10  }
0x32: {  	s10 =	sld [smem:$0x3FB6];
	_ =	sdelay $0x3  }
0x33: {  	p0 =	seq.s32 s10, $0x1;
	s10 =	sld [smem:$0x3FB8];
	_ =	sdelay $0x3  }
0x34: {  	[smem:$0x3FB8] =	sst s10  }
0x35: {  	s10 =	sld [smem:$0x3FB7];
	_ =	sdelay $0x3  }
0x36: {  	p1 =	seq.s32 s10, $0x1;
	s10 =	sld [smem:$0x3FB8];
	_ =	sdelay $0x3  }
0x37: {  	[smem:$0x3FB8] =	sst s10  }
0x38: {  	s10 =	sld [smem:$0x3FB9]  }
0x39: {  	_ = 	snop;
	(pc) =	sbr.ind lr, $3  }
0x3a: {  	_ = 	snop  }
0x3b: {  	_ = 	snop  }
0x3c: {  	p2 =	seq.s32 s10, $0x1;
	s10 =	sld [smem:$0x3FB8]  }
0x3d: {  	_ =	shalt  }
0x3e: {  	_ =	shalt  }
0x3f: {  	_ =	shalt  }
0x40: {  	_ =	shalt  }
0x41: {  	_ =	shalt  }
0x42: {  	_ =	shalt  }
0x43: {  	_ =	shalt  }
0x44: {  	_ =	shalt  }
0x45: {  	_ =	shalt  }
0x46: {  	_ =	shalt  }
0x47: {  	_ =	shalt  }
0x48: {  	_ =	shalt  }
0x49: {  	_ =	shalt  }
0x4a: {  	_ =	shalt  }
0x4b: {  	_ =	shalt  }
0x4c: {  	_ =	shalt  }
0x4d: {  	_ =	shalt  }
0x4e: {  	_ =	shalt  }
0x4f: {  	_ =	shalt  }
0x50: {  	_ =	shalt  }
0x51: {  	_ =	shalt  }
0x52: {  	_ =	shalt  }
0x53: {  	_ =	shalt  }
0x54: {  	_ =	shalt  }
0x55: {  	_ =	shalt  }
0x56: {  	_ =	shalt  }
0x57: {  	_ =	shalt  }
0x58: {  	_ =	shalt  }
0x59: {  	_ =	shalt  }
0x5a: {  	_ =	shalt  }
0x5b: {  	_ =	shalt  }
0x5c: {  	_ =	shalt  }
0x5d: {  	_ =	shalt  }
0x5e: {  	_ =	shalt  }
0x5f: {  	_ =	shalt  }
0x60: {  	_ =	shalt  }
0x61: {  	_ =	shalt  }
0x62: {  	_ =	shalt  }
0x63: {  	_ =	shalt  }
0x64: {  	_ =	shalt  }
0x65: {  	_ =	shalt  }
0x66: {  	_ =	shalt  }
0x67: {  	_ =	shalt  }
0x68: {  	_ =	shalt  }
0x69: {  	_ =	shalt  }
0x6a: {  	_ =	shalt  }
0x6b: {  	_ =	shalt  }
0x6c: {  	_ =	shalt  }
0x6d: {  	_ =	shalt  }
0x6e: {  	_ =	shalt  }
0x6f: {  	_ =	shalt  }
0x70: {  	_ =	shalt  }
0x71: {  	_ =	shalt  }
0x72: {  	_ =	shalt  }
0x73: {  	_ =	shalt  }
0x74: {  	_ =	shalt  }
0x75: {  	_ =	shalt  }
0x76: {  	_ =	shalt  }
0x77: {  	_ =	shalt  }
0x78: {  	_ =	shalt  }
0x79: {  	_ =	shalt  }
0x7a: {  	_ =	shalt  }
0x7b: {  	_ =	shalt  }
0x7c: {  	_ =	shalt  }
0x7d: {  	_ =	shalt  }
0x7e: {  	_ =	shalt  }
0x7f: {  	_ =	shalt  }
0x80: {  	_ =	shalt  }
0x81: {  	_ =	shalt  }
0x82: {  	_ =	shalt  }
0x83: {  	_ =	shalt  }
0x84: {  	_ =	shalt  }
0x85: {  	_ =	shalt  }
0x86: {  	_ =	shalt  }
0x87: {  	_ =	shalt  }
.Lfunc_end0:
.L_simem_size_0:
called_computation_lowered:
.L_overlay_start_0:
0x88: {  	s2 =	sld [smem:$0x3FD9]  }
0x89: {  	s3 =	sld [smem:$0x3FFE];
	_ =	sdelay $0x1  }
0x8a: {  	s1 =	srdreg.scid  }
0x8b: {  	s0 =	sand.u32 $0x1, s1  }
0x8c: {  	s16 =	sshll.u32 s0, $0xA;
	s2 =	sadd.s32 s3, s2  }
0x8d: {  	s2 =	sadd.s32 s2, s16  }
0x8e: {  	[smem:$0x3FC4] =	sst s2  }
0x8f: {  	_ = 	snop  }
0x90: {  	(tm) =	ssettm $0x1  }
0x91: {  	s17 =	sld [smem:$0x3FFB];
	_ =	sdelay $0x3  }
0x92: {  	_ =	strace s17  }
0x93: {  	s2 =	sld [smem:$0x3FFC];
	_ =	sdelay $0x3  }
0x94: {  	_ =	strace s2  }
0x95: {  	s2 =	sld [smem:$0x3FFD];
	_ =	sdelay $0x3  }
0x96: {  	_ =	strace s2  }
0x97: {  	_ =	strace $0x8FFFFFFF  }
0x98: {  	s18 =	sld [smem:$0x3FDB];
	_ =	sdelay $0x1  }
0x99: {  	s19 =	simm.s32 $_scs_section_size  }
0x9a: {  	s4 =	simm.s32 $_size__tile_overlayer_lowered;
	s5 =	simm.s32 $_tile_overlayer_lowered  }
0x9b: {  	s22 =	simm.s32 $0x1BFF;
	s21 =	sshll.u32 s5, $0x1;
	s2 =	sadd.s32 s19, s18  }
0x9c: {  	s6 =	simm.s32 $0x0;
	s20 =	sshll.u32 s4, $0x1;
	s4 =	sadd.s32 s21, s2  }
0x9d: {  	[timem:s6], [sflag:s22] =	dma.local [hbm:s4], s20  }
0x9e: {  	_ =	swait.ge [sflag:s22], s20  }
0x9f: {  	s3 =	ssub.s32 $0x0, s20;
	[sflag:s22] =	ssyncset.done $0x0  }
0xa0: {  	[sflag:s22] =	ssyncadd.s32 s3;
	_ =	sdelay $0x1  }
0xa1: {  	s23 =	simm.s32 $0x1B8B  }
0xa2: {  	_ =	swait.ge [sflag:s23], $0x1  }
0xa3: {  	[sflag:s23] =	ssyncset.done $0x0  }
0xa4: {  	s25 =	simm.s32 $0x1B8E;
	s24 =	sld [smem:$0x3FFE];
	[sflag:s23] =	ssyncadd.s32 $0xFFFFFFFF  }
0xa5: {  	s26 =	simm.s32 $execute0_lowered;
	[smem:$0x3FD2] =	sst s25  }
0xa6: {  	s4 =	sshll.u32 s26, $0x1;
	_ =	strace $0x80000046;
	[dreg:$0x1] =	wrdreg $0xFFFFFFFF  }
0xa7: {  	s28 =	simm.s32 $_size_execute0_lowered;
	s2 =	sadd.s32 s2, s4;
	[dreg:$0x0] =	wrdreg $0x0  }
0xa8: {  	s4 =	sshll.u32 s28, $0x1;
	[dreg:$0x2] =	wrdreg s2  }
0xa9: {  	[dreg:$0x3] =	wrdreg s4  }
0xaa: {  	[dreg:$0x4] =	wrdreg $0xC0  }
0xab: {  	_ =	task [dreg:s6], $0x5FFFF  }
0xac: {  	[dreg:$0x1] =	wrdreg $0xFFFFFFFF  }
0xad: {  	[dreg:$0x0] =	wrdreg $0x60  }
0xae: {  	[dreg:$0x2] =	wrdreg s24  }
0xaf: {  	[dreg:$0x3] =	wrdreg $0x9  }
0xb0: {  	_ =	task.clear_ibuf [dreg:s6], $0x4FFFF;
	_ =	strace $0x90000046  }
0xb1: {  	s29 =	simm.s32 $0x9;
	_ =	strace $0x80000048  }
0xb2: {  	_ =	swait.ge [sflag:s29], $0x1  }
0xb3: {  	[sflag:s29] =	ssyncadd.s32 $0xFFFFFFFF  }
0xb4: {  	_ =	strace $0x90000048  }
0xb5: {  	_ =	sfence  }
0xb6: {  	s30 =	sld [smem:$0x0];
	_ =	sdelay $0x2  }
0xb7: {  	s31 =	sshll.u32 s1, $0xD;
	s1 =	sshrl.u32 s1, $0x2  }
0xb8: {  	s3 =	sand.u32 $0x4000, s31;
	s1 =	sadd.s32 s1, s30  }
0xb9: {  	s0 =	sor.u32 s3, s0;
	s1 =	sshll.u32 s1, $0x11  }
0xba: {  	s0 =	sor.u32 s1, s0  }
0xbb: {  	s0 =	sadd.s32 $0x8F2B, s0  }
0xbc: {  	[sflag:s0] =	ssyncadd.remote.s32 $0x1  }
0xbd: {  	_ =	sfence.sel $0xFFFF  }
0xbe: {  	[dreg:$0x0] =	wrdreg $0xFFFFFFFF;
	(pc) =	sbr.abs _section_cstart, $3  }
0xbf: {  	[dreg:$0x1] =	wrdreg $0xFFFFFFFF  }
0xc0: {  	_ =	task.clear_ibuf [dreg:s6], $0x2FFFF;
	_ =	strace $0x9FFFFFFF  }
0xc1: {  	(tm) =	ssettm $0x7FFFFFFF  }
tec
execute0_lowered:
.L_overlay_start_1:
0x0: {  	(tag) =	ssettag $0x1  }
0x1: {  	s1 =	srdreg.scid  }
0x2: {  	s0 =	stileid.u32;
	s5 =	rddreg [dreg:$0x0]  }
0x3: {  	s2 =	simm.s32 $0x0;
	s8 =	simm.s32 $0x80;
	s9 =	simm.s32 $0x400  }
0x4: {  	s10 =	simm.s32 $0x0;
	s3 =	sand.u32 $0x1, s1;
	s29 =	sshll.u32 s0, $0x1  }
0x5: {  	s30 =	sshrl.u32 s0, $0x2;
	s1 =	rddreg [dreg:$0x1];
	s4 =	sor.u32 s3, s29  }
0x6: {  	[smem:$0x7FF] =	sst s2;
	s6 =	smul.u32 $0x13C00, s30;
	s7 =	sshll.u32 s4, $0x7  }
0x7: {  	s3 =	ssub.s32 $0x2, s3;
	s4 =	smul.u32 $0x4E2, s4;
	s7 =	sand.u32 $0x380, s7  }
0x8: {  	_ =	strace $0x80000047;
	s31 =	sshrl.u32 s3, $0x1;
	s6 =	sor.u32 s6, s7  }
0x9: {  	s4 =	sadd.s32 s4, s5;
	s7 =	simm.s32 $0x1;
	s6 =	sshrl.u32 s6, $0x3  }
0xa: {  	s5 =	sadd.s32 s6, s5;
	s6 =	ssub.s32 s3, s31;
	s3 =	sadd.s32 $0xA000, s4  }
0xb: {  	v0 =	vimm.f32 $0.0e+00;
	v1 =	vimm.f32 $1.000000000e+00;
	s4 =	sadd.s32 $0x13E00, s5;
	s5 =	smax.u32 s6, $0x1;
	s6 =	simm.s32 $0x2780  }
.LBB2_1:
0xc: {  	s11 =	simm.s32 $0x40  }
0xd: {  	[tilespmem:s11+$0xFFFFFFC0] =	vst v0  }
0xe: {  	[tilespmem:s11+$0x30] =	vst v0  }
0xf: {  	[tilespmem:s11+$0x20] =	vst v0  }
0x10: {  	[tilespmem:s11+$0x10] =	vst v0  }
0x11: {  	[tilespmem:s11+$0x0] =	vst v0  }
0x12: {  	[tilespmem:s11+$0xFFFFFFF0] =	vst v0  }
0x13: {  	s12 =	simm.s32 $0x0;
	[tilespmem:s11+$0xFFFFFFE0] =	vst v0  }
.LBB2_2:
0x14: {  	s12 =	sadd.s32 $0x8, s12;
	[tilespmem:s11+$0xFFFFFFD0] =	vst v0;
	s11 =	sadd.s32 $0x80, s11  }
0x15: {  	[tilespmem:s11+$0xFFFFFFC0] =	vst v0;
	p0 =	slt.u32 s12, $0x268  }
0x16: {  	[tilespmem:s11+$0x30] =	vst v0  }
.Ltmp0:
0x17: {  	[tilespmem:s11+$0x20] =	vst v0;
	(pc) =	sbr.rel @p0 .LBB2_2-.Ltmp0, $4  }
0x18: {  	[tilespmem:s11+$0x10] =	vst v0  }
0x19: {  	[tilespmem:s11+$0x0] =	vst v0  }
0x1a: {  	[tilespmem:s11+$0xFFFFFFF0] =	vst v0  }
0x1b: {  	[tilespmem:s11+$0xFFFFFFE0] =	vst v0  }
0x1c: {  	[tilespmem:s11+$0xFFFFFFD0] =	vst v0  }
0x1d: {  	[tilespmem:$0x2700] =	vst v0  }
0x1e: {  	[tilespmem:s6], [sflag:$0x1] =	stream.linear.gather [hbm4b:s3+s2], $0x2710, $0x38;
	[tilespmem:$0x4F00] =	vst v63  }
0x1f: {  	_ =	swait.ge [sflag:s7], $0x2710  }
0x20: {  	[sflag:s7] =	ssyncset.done $0x0  }
0x21: {  	s11 =	simm.s32 $0xFFFFFFF8;
	s12 =	simm.s32 $0x27C0;
	[sflag:s7] =	ssyncadd.s32 $0xFFFFD8F0  }
.LBB2_4:
0x22: {  	v2 =	vld [tilespmem:s12+$0xFFFFFFC0];
	_ =	sdelay $0x7  }
0x23: {  	[tilespmem:v2+s2+$0x0] =	vst.idx.add.f32.msk $0xffff, v1  }
0x24: {  	v2 =	vld [tilespmem:s12+$0xFFFFFFD0];
	_ =	sdelay $0x7  }
0x25: {  	[tilespmem:v2+s2+$0x0] =	vst.idx.add.f32.msk $0xffff, v1  }
0x26: {  	v2 =	vld [tilespmem:s12+$0xFFFFFFE0];
	_ =	sdelay $0x7  }
0x27: {  	[tilespmem:v2+s2+$0x0] =	vst.idx.add.f32.msk $0xffff, v1  }
0x28: {  	v2 =	vld [tilespmem:s12+$0xFFFFFFF0];
	_ =	sdelay $0x7  }
0x29: {  	[tilespmem:v2+s2+$0x0] =	vst.idx.add.f32.msk $0xffff, v1  }
0x2a: {  	v2 =	vld [tilespmem:s12+$0x0];
	_ =	sdelay $0x7  }
0x2b: {  	[tilespmem:v2+s2+$0x0] =	vst.idx.add.f32.msk $0xffff, v1  }
0x2c: {  	v2 =	vld [tilespmem:s12+$0x10];
	_ =	sdelay $0x7  }
0x2d: {  	[tilespmem:v2+s2+$0x0] =	vst.idx.add.f32.msk $0xffff, v1  }
0x2e: {  	v2 =	vld [tilespmem:s12+$0x20];
	_ =	sdelay $0x7  }
0x2f: {  	[tilespmem:v2+s2+$0x0] =	vst.idx.add.f32.msk $0xffff, v1  }
0x30: {  	v2 =	vld [tilespmem:s12+$0x30];
	_ =	sdelay $0x1  }
0x31: {  	s11 =	sadd.s32 $0x8, s11  }
0x32: {  	p0 =	slt.u32 s11, $0x268  }
.Ltmp1:
0x33: {  	_ = 	snop;
	(pc) =	sbr.rel @p0 .LBB2_4-.Ltmp1, $2  }
0x34: {  	_ =	sdelay $0x2  }
0x35: {  	s12 =	sadd.s32 $0x80, s12;
	[tilespmem:v2+s2+$0x0] =	vst.idx.add.f32.msk $0xffff, v1  }
0x36: {  	v2 =	vld [tilespmem:$0x4E80];
	_ =	sdelay $0x5  }
0x37: {  	s10 =	sadd.s32 $0x1, s10  }
0x38: {  	p0 =	sne.s32 s10, s5  }
.Ltmp2:
0x39: {  	[tilespmem:v2+s2+$0x0] =	vst.idx.add.f32.msk $0xffff, v1;
	(pc) =	sbr.rel @p0 .LBB2_1-.Ltmp2, $4  }
0x3a: {  	[hbm4b:s4+s8] =	stream.strided.scatter [tilespmem:s2], [sflag:$0x1], $0x2780, s9, s8, $0x38;
	[tilespmem:$0x4F00] =	vst v63  }
0x3b: {  	_ =	swait.ge [sflag:s7], $0x2780  }
0x3c: {  	[sflag:s7] =	ssyncset.done $0x0  }
0x3d: {  	[sflag:s7] =	ssyncadd.s32 $0xFFFFD880  }
0x3e: {  	_ =	sfence.sel $0x180000  }
0x3f: {  	[bflag:$0x0] =	sbarrier.arrive $0xFFFF  }
0x40: {  	p0 =	sne.s32 s0, $0x0;
	_ =	strace $0x90000047  }
0x41: {  	s0 =	sadd.s32 @!p0 $0x100000, s1;
	[bflag:$0x2] =	sbarrier.arrive $0xFFFF  }
0x42: {  	[sflag:s0] =	ssyncadd.tile.s32 @!p0 $0x1;
	_ =	shalt  }
.Lfunc_end2:
_tile_overlayer_lowered:
.L_overlay_start_2:
0x43: {  	(tag) =	ssettag $0x2  }
0x44: {  	s0 =	rddreg [dreg:$0x0];
	s2 =	stileid.u32  }
0x45: {  	s1 =	rddreg [dreg:$0x1];
	p0 =	sne.s32 s2, $0x0  }
0x46: {  	s3 =	rddreg [dreg:$0x2];
	[bflag:$0x3] =	sbarrier.arrive $0xFFFF;
	s2 =	simm.s32 @!p0 $0x1C01  }
0x47: {  	[timem:s3], [sflag:s2] =	dma.local @!p0 [hbm:s0], s1  }
0x48: {  	s0 =	simm.s32 @!p0 $0x1  }
0x49: {  	_ =	swait.ge @!p0 [sflag:s0], s1  }
0x4a: {  	s1 =	ssub.s32 @!p0 $0x0, s1;
	[sflag:s0] =	ssyncset.done @!p0 $0x0  }
0x4b: {  	[sflag:s0] =	ssyncadd.s32 @!p0 s1  }
0x4c: {  	[bflag:$0x3] =	sbarrier.arrive $0xFFFF  }
0x4d: {  	_ =	shalt  }

// kernel: kernel.8.cloned.1.call-start
scs
__scs_entry_jumppad:
0x0: {  	(pc) =	sbr.rel $0x88, $3  }
0x1: {  	(tag) =	ssettag $0x0;
	lr =	simm.s32 $0x1  }
0x2: {  	[smem:$0x3F9D] =	sst lr;
	_ =	strace $0xD0000000  }
0x3: {  	_ = 	snop  }
0x4: {  	_ = 	snop  }
0x5: {  	_ = 	snop  }
0x6: {  	_ = 	snop  }
0x7: {  	_ = 	snop  }
__scs_overlays_trampoline_lowered:
0x8: {  	[smem:$0x3FAC] =	sst s0  }
0x9: {  	[smem:$0x3FAD] =	sst s1  }
0xa: {  	[smem:$0x3FAE] =	sst s2  }
0xb: {  	[smem:$0x3FAF] =	sst s3  }
0xc: {  	[smem:$0x3FB0] =	sst s4  }
0xd: {  	[smem:$0x3FB1] =	sst s5  }
0xe: {  	[smem:$0x3FB2] =	sst s6  }
0xf: {  	[smem:$0x3FB3] =	sst s7  }
0x10: {  	[smem:$0x3FB4] =	sst s8  }
0x11: {  	[smem:$0x3FB5] =	sst s9;
	s0 =	simm.s32 @!p0 $0x0  }
0x12: {  	s1 =	sld [smem:$0x3F9B];
	s0 =	simm.s32 @p0 $0x1  }
0x13: {  	[smem:$0x3FB6] =	sst s0;
	s0 =	simm.s32 @!p1 $0x0  }
0x14: {  	s2 =	sld [smem:$0x3F9A];
	s0 =	simm.s32 @p1 $0x1  }
0x15: {  	[smem:$0x3FB7] =	sst s0;
	s0 =	simm.s32 @!p2 $0x0  }
0x16: {  	s3 =	sld [smem:$0x3FDB];
	s0 =	simm.s32 @p2 $0x1  }
0x17: {  	s4 =	simm.s32 $0x1BF5;
	[smem:$0x3FB9] =	sst s0  }
0x18: {  	s0 =	sld [smem:$0x3F9C];
	_ =	swait.ge [sflag:s4], $0x0  }
0x19: {  	s7 =	sld [smem:$0x3F9D]  }
0x1a: {  	s8 =	sadd.s32 $0xFFFFE003, lr  }
0x1b: {  	s9 =	sadd.s32 $0xFFFFFEF7, lr;
	s5 =	simm.s32 $0xFFFFFFFF;
	p2 =	slt.u32 s8, $0xFFFFF086  }
0x1c: {  	p1 =	slt.u32 s9, $0xF7A;
	s5 =	simm.s32 @!p2 $0x0  }
0x1d: {  	s5 =	simm.s32 @p1 $0x1;
	p0 =	seq.s32 s7, s2  }
0x1e: {  	s7 =	smul.u32 @!p0 $0xF7A, s2;
	p2 =	seq.s32 @!p0 s5, $0x0  }
0x1f: {  	s9 =	smul.u32 $0xF7A, s1;
	s8 =	simm.s32 @!p0 $0x1BF5;
	p2 =	por !p2, p0  }
0x20: {  	[sflag:s8] =	ssyncset.s32 @!p0 $0xFFFFF086;
	s6 =	sadd.s32 @!p0 s3, s7;
	s7 =	simm.s32 @!p0 $0x108  }
0x21: {  	s3 =	sadd.s32 s3, s9;
	s6 =	sadd.s32 @!p0 $0x88, s6;
	s7 =	simm.s32 @p2 $0x1082  }
0x22: {  	[simem:s7], [sflag:s8] =	dma.local @!p0 [hbm:s6], $0xF7A  }
0x23: {  	s9 =	sor.u32 $0xD0000000, s2;
	s6 =	simm.s32 $0x108;
	_ =	swait.ge @!p0 [sflag:s8], $0x0  }
0x24: {  	s3 =	sadd.s32 $0x88, s3;
	s6 =	simm.s32 @!p1 $0x1082;
	[sflag:s4] =	ssyncset.s32 $0xFFFFF086  }
0x25: {  	[simem:s6], [sflag:s4] =	dma.local [hbm:s3], $0xF7A  }
0x26: {  	[smem:$0x3F9D] =	sst s1;
	(tag) =	ssettag s2;
	_ =	strace s9  }
0x27: {  	s1 =	sld [smem:$0x3FAD]  }
0x28: {  	s2 =	sld [smem:$0x3FAE]  }
0x29: {  	s4 =	sld [smem:$0x3FB0]  }
0x2a: {  	p0 =	seq.s32 s5, $0x0;
	s5 =	sld [smem:$0x3FB1]  }
0x2b: {  	s6 =	sld [smem:$0x3FB2]  }
0x2c: {  	s7 =	sld [smem:$0x3FB3]  }
0x2d: {  	s3 =	simm.s32 $0x108;
	s8 =	sld [smem:$0x3FB4]  }
0x2e: {  	s3 =	simm.s32 @!p0 $0x1082;
	s9 =	sld [smem:$0x3FB5]  }
0x2f: {  	lr =	sadd.s32 s0, s3;
	s0 =	sld [smem:$0x3FAC]  }
0x30: {  	s3 =	sld [smem:$0x3FAF]  }
0x31: {  	[smem:$0x3FB8] =	sst s10  }
0x32: {  	s10 =	sld [smem:$0x3FB6];
	_ =	sdelay $0x3  }
0x33: {  	p0 =	seq.s32 s10, $0x1;
	s10 =	sld [smem:$0x3FB8];
	_ =	sdelay $0x3  }
0x34: {  	[smem:$0x3FB8] =	sst s10  }
0x35: {  	s10 =	sld [smem:$0x3FB7];
	_ =	sdelay $0x3  }
0x36: {  	p1 =	seq.s32 s10, $0x1;
	s10 =	sld [smem:$0x3FB8];
	_ =	sdelay $0x3  }
0x37: {  	[smem:$0x3FB8] =	sst s10  }
0x38: {  	s10 =	sld [smem:$0x3FB9]  }
0x39: {  	_ = 	snop;
	(pc) =	sbr.ind lr, $3  }
0x3a: {  	_ = 	snop  }
0x3b: {  	_ = 	snop  }
0x3c: {  	p2 =	seq.s32 s10, $0x1;
	s10 =	sld [smem:$0x3FB8]  }
0x3d: {  	_ =	shalt  }
0x3e: {  	_ =	shalt  }
0x3f: {  	_ =	shalt  }
0x40: {  	_ =	shalt  }
0x41: {  	_ =	shalt  }
0x42: {  	_ =	shalt  }
0x43: {  	_ =	shalt  }
0x44: {  	_ =	shalt  }
0x45: {  	_ =	shalt  }
0x46: {  	_ =	shalt  }
0x47: {  	_ =	shalt  }
0x48: {  	_ =	shalt  }
0x49: {  	_ =	shalt  }
0x4a: {  	_ =	shalt  }
0x4b: {  	_ =	shalt  }
0x4c: {  	_ =	shalt  }
0x4d: {  	_ =	shalt  }
0x4e: {  	_ =	shalt  }
0x4f: {  	_ =	shalt  }
0x50: {  	_ =	shalt  }
0x51: {  	_ =	shalt  }
0x52: {  	_ =	shalt  }
0x53: {  	_ =	shalt  }
0x54: {  	_ =	shalt  }
0x55: {  	_ =	shalt  }
0x56: {  	_ =	shalt  }
0x57: {  	_ =	shalt  }
0x58: {  	_ =	shalt  }
0x59: {  	_ =	shalt  }
0x5a: {  	_ =	shalt  }
0x5b: {  	_ =	shalt  }
0x5c: {  	_ =	shalt  }
0x5d: {  	_ =	shalt  }
0x5e: {  	_ =	shalt  }
0x5f: {  	_ =	shalt  }
0x60: {  	_ =	shalt  }
0x61: {  	_ =	shalt  }
0x62: {  	_ =	shalt  }
0x63: {  	_ =	shalt  }
0x64: {  	_ =	shalt  }
0x65: {  	_ =	shalt  }
0x66: {  	_ =	shalt  }
0x67: {  	_ =	shalt  }
0x68: {  	_ =	shalt  }
0x69: {  	_ =	shalt  }
0x6a: {  	_ =	shalt  }
0x6b: {  	_ =	shalt  }
0x6c: {  	_ =	shalt  }
0x6d: {  	_ =	shalt  }
0x6e: {  	_ =	shalt  }
0x6f: {  	_ =	shalt  }
0x70: {  	_ =	shalt  }
0x71: {  	_ =	shalt  }
0x72: {  	_ =	shalt  }
0x73: {  	_ =	shalt  }
0x74: {  	_ =	shalt  }
0x75: {  	_ =	shalt  }
0x76: {  	_ =	shalt  }
0x77: {  	_ =	shalt  }
0x78: {  	_ =	shalt  }
0x79: {  	_ =	shalt  }
0x7a: {  	_ =	shalt  }
0x7b: {  	_ =	shalt  }
0x7c: {  	_ =	shalt  }
0x7d: {  	_ =	shalt  }
0x7e: {  	_ =	shalt  }
0x7f: {  	_ =	shalt  }
0x80: {  	_ =	shalt  }
0x81: {  	_ =	shalt  }
0x82: {  	_ =	shalt  }
0x83: {  	_ =	shalt  }
0x84: {  	_ =	shalt  }
0x85: {  	_ =	shalt  }
0x86: {  	_ =	shalt  }
0x87: {  	_ =	shalt  }
.Lfunc_end0:
.L_simem_size_0:
called_computation.1_lowered:
.L_overlay_start_0:
0x88: {  	s2 =	sld [smem:$0x3FD9]  }
0x89: {  	s3 =	sld [smem:$0x3FFE];
	_ =	sdelay $0x1  }
0x8a: {  	s1 =	srdreg.scid  }
0x8b: {  	s0 =	sand.u32 $0x1, s1  }
0x8c: {  	s17 =	sshll.u32 s0, $0xA;
	s2 =	sadd.s32 s3, s2  }
0x8d: {  	s2 =	sadd.s32 s2, s17  }
0x8e: {  	[smem:$0x3FC4] =	sst s2  }
0x8f: {  	_ = 	snop  }
0x90: {  	s2 =	sld [smem:$0x3FD0];
	(tm) =	ssettm $0x1  }
0x91: {  	s18 =	sld [smem:$0x3FFB];
	_ =	sdelay $0x3  }
0x92: {  	_ =	strace s18  }
0x93: {  	s3 =	sld [smem:$0x3FFC];
	_ =	sdelay $0x3  }
0x94: {  	_ =	strace s3  }
0x95: {  	s3 =	sld [smem:$0x3FFD];
	_ =	sdelay $0x3  }
0x96: {  	_ =	strace s3  }
0x97: {  	_ =	strace $0x8FFFFFFF  }
0x98: {  	s19 =	sld [smem:$0x3FDB];
	_ =	sdelay $0x1  }
0x99: {  	s4 =	simm.s32 $_scs_section_size  }
0x9a: {  	s5 =	simm.s32 $_size__tile_overlayer_lowered;
	s6 =	simm.s32 $_tile_overlayer_lowered  }
0x9b: {  	s22 =	simm.s32 $0x1BFF;
	s21 =	sshll.u32 s6, $0x1;
	s3 =	sadd.s32 s4, s19  }
0x9c: {  	s7 =	simm.s32 $0x0;
	s20 =	sshll.u32 s5, $0x1;
	s5 =	sadd.s32 s21, s3  }
0x9d: {  	[timem:s7], [sflag:s22] =	dma.local [hbm:s5], s20  }
0x9e: {  	_ =	swait.ge [sflag:s22], s20  }
0x9f: {  	s4 =	ssub.s32 $0x0, s20;
	[sflag:s22] =	ssyncset.done $0x0  }
0xa0: {  	[sflag:s22] =	ssyncadd.s32 s4;
	_ =	sdelay $0x1  }
0xa1: {  	s23 =	simm.s32 $0x1B8B  }
0xa2: {  	_ =	swait.ge [sflag:s23], $0x1  }
0xa3: {  	[sflag:s23] =	ssyncset.done $0x0  }
0xa4: {  	s25 =	simm.s32 $0x1B8E;
	s24 =	sld [smem:$0x3FFE];
	[sflag:s23] =	ssyncadd.s32 $0xFFFFFFFF  }
0xa5: {  	s26 =	simm.s32 $execute0_lowered;
	[smem:$0x3FD2] =	sst s25  }
0xa6: {  	s5 =	sshll.u32 s26, $0x1;
	_ =	strace $0x80000049;
	[dreg:$0x1] =	wrdreg $0xFFFFFFFF  }
0xa7: {  	s28 =	simm.s32 $_size_execute0_lowered;
	s3 =	sadd.s32 s3, s5;
	[dreg:$0x0] =	wrdreg $0x0  }
0xa8: {  	s5 =	sshll.u32 s28, $0x1;
	[dreg:$0x2] =	wrdreg s3  }
0xa9: {  	[dreg:$0x3] =	wrdreg s5  }
0xaa: {  	[dreg:$0x4] =	wrdreg $0xC0  }
0xab: {  	_ =	task [dreg:s7], $0x5FFFF  }
0xac: {  	[dreg:$0x1] =	wrdreg $0xFFFFFFFF  }
0xad: {  	[dreg:$0x0] =	wrdreg $0x60  }
0xae: {  	[dreg:$0x2] =	wrdreg s24  }
0xaf: {  	[dreg:$0x3] =	wrdreg s2  }
0xb0: {  	[dreg:$0x4] =	wrdreg $0x9  }
0xb1: {  	_ =	task.clear_ibuf [dreg:s7], $0x5FFFF;
	_ =	strace $0x90000049  }
0xb2: {  	s29 =	simm.s32 $0x9;
	_ =	strace $0x8000004B  }
0xb3: {  	_ =	swait.ge [sflag:s29], $0x1  }
0xb4: {  	[sflag:s29] =	ssyncadd.s32 $0xFFFFFFFF  }
0xb5: {  	_ =	strace $0x9000004B  }
0xb6: {  	_ =	sfence  }
0xb7: {  	s30 =	sld [smem:$0x0];
	_ =	sdelay $0x2  }
0xb8: {  	s31 =	sshll.u32 s1, $0xD;
	s1 =	sshrl.u32 s1, $0x2  }
0xb9: {  	s3 =	sand.u32 $0x4000, s31;
	s1 =	sadd.s32 s1, s30  }
0xba: {  	s0 =	sor.u32 s3, s0;
	s1 =	sshll.u32 s1, $0x11  }
0xbb: {  	s0 =	sor.u32 s1, s0  }
0xbc: {  	s0 =	sadd.s32 $0x8F2B, s0  }
0xbd: {  	[sflag:s0] =	ssyncadd.remote.s32 $0x1  }
0xbe: {  	_ =	sfence.sel $0xFFFF  }
0xbf: {  	[dreg:$0x0] =	wrdreg $0xFFFFFFFF;
	(pc) =	sbr.abs _section_cstart, $3  }
0xc0: {  	[dreg:$0x1] =	wrdreg $0xFFFFFFFF  }
0xc1: {  	_ =	task.clear_ibuf [dreg:s7], $0x2FFFF;
	_ =	strace $0x9FFFFFFF  }
0xc2: {  	(tm) =	ssettm $0x7FFFFFFF  }
0xc3: {  	_ =	shalt  }
tec
execute0_lowered:
.L_overlay_start_1:
0x0: {  	(tag) =	ssettag $0x1  }
0x1: {  	s7 =	rddreg [dreg:$0x0]  }
0x2: {  	s2 =	rddreg [dreg:$0x1]  }
0x3: {  	s0 =	rddreg [dreg:$0x2]  }
0x4: {  	s4 =	srdreg.scid;
	s1 =	stileid.u32  }
0x5: {  	s3 =	simm.s32 $0x0;
	s12 =	simm.s32 $0x400;
	s13 =	simm.s32 $0x1  }
0x6: {  	s14 =	simm.s32 $0x9C80;
	s15 =	simm.s32 $0x13900;
	s16 =	simm.s32 $0x16080  }
0x7: {  	s17 =	simm.s32 $0x18800;
	s18 =	simm.s32 $0x1A780;
	s19 =	simm.s32 $0x0  }
0x8: {  	s6 =	sand.u32 $0x1, s4;
	s29 =	sshll.u32 s1, $0x1;
	[smem:$0x7FF] =	sst s3  }
0x9: {  	s30 =	sshrl.u32 s1, $0x2;
	s4 =	sadd.s32 $0x200, s7;
	s8 =	sor.u32 s6, s29  }
0xa: {  	s5 =	sadd.s32 $0xA000, s7;
	s9 =	smul.u32 $0x4E400, s30;
	s10 =	sshll.u32 s8, $0x7  }
0xb: {  	_ =	strace $0x8000004A;
	s31 =	ssub.s32 $0x2, s6;
	s10 =	sand.u32 $0x380, s10  }
0xc: {  	s6 =	sadd.s32 $0x13E00, s7;
	s11 =	sshrl.u32 s31, $0x1;
	s9 =	sor.u32 s9, s10  }
0xd: {  	s8 =	smul.u32 $0x28, s8;
	s10 =	ssub.s32 s31, s11;
	s9 =	sshrl.u32 s9, $0x3  }
0xe: {  	s11 =	simm.s32 $0x80;
	s10 =	smax.u32 s10, $0x1;
	s9 =	sadd.s32 s9, s7  }
0xf: {  	v0 =	vlaneseq.u32;
	s7 =	sshrl.u32 s8, $0x5;
	s8 =	sadd.s32 $0x14400, s9;
	s9 =	sadd.s32 $0x3B600, s9  }
.LBB2_1:
0x10: {  	[tilespmem:s3], [sflag:$0x1] =	stream.strided.gather [hbm4b:s8+s11], $0x9C80, s12, s11, $0x38;
	[tilespmem:$0x1C700] =	vst v63  }
0x11: {  	_ =	swait.ge [sflag:s13], $0x9C80  }
0x12: {  	[sflag:s13] =	ssyncset.done $0x0  }
0x13: {  	[sflag:s13] =	ssyncadd.s32 $0xFFFF6380  }
0x14: {  	[tilespmem:s14], [sflag:$0x1] =	stream.strided.gather [hbm4b:s8+s11], $0x9C80, s12, s11, $0x38;
	[tilespmem:$0x1C700] =	vst v63  }
0x15: {  	_ =	swait.ge [sflag:s13], $0x9C80  }
0x16: {  	[sflag:s13] =	ssyncset.done $0x0  }
0x17: {  	[sflag:s13] =	ssyncadd.s32 $0xFFFF6380  }
0x18: {  	[tilespmem:s15], [sflag:$0x1] =	stream.linear.gather [hbm4b:s2+s3], $0x2780, $0x38;
	[tilespmem:$0x1C700] =	vst v63  }
0x19: {  	_ =	swait.ge [sflag:s13], $0x2780  }
0x1a: {  	[sflag:s13] =	ssyncset.done $0x0  }
0x1b: {  	[sflag:s13] =	ssyncadd.s32 $0xFFFFD880  }
0x1c: {  	[tilespmem:s16], [sflag:$0x1] =	stream.linear.gather [hbm4b:s6+s3], $0x2780, $0x38;
	[tilespmem:$0x1C700] =	vst v63  }
0x1d: {  	_ =	swait.ge [sflag:s13], $0x2780  }
0x1e: {  	[sflag:s13] =	ssyncset.done $0x0  }
0x1f: {  	s20 =	simm.s32 $0x0;
	[sflag:s13] =	ssyncadd.s32 $0xFFFFD880  }
.LBB2_2:
0x20: {  	s21 =	sadd.s32 s7, s20  }
0x21: {  	s22 =	sadd.s32 $0xFFFFFFD8, s21  }
0x22: {  	s21 =	smin.u32 s22, s21  }
0x23: {  	s21 =	smul.u32 $0x1F40, s21;
	_ =	sdelay $0x1  }
0x24: {  	s21 =	sshrl.u32 s21, $0x3  }
0x25: {  	s31 =	sadd.s32 s4, s21  }
0x26: {  	[tilespmem:s17], [sflag:$0x1] =	stream.linear.gather [hbm4b:s31+s3], $0x1F40, $0x38;
	[tilespmem:$0x1C700] =	vst v63  }
0x27: {  	_ =	swait.ge [sflag:s13], $0x1F40  }
0x28: {  	[sflag:s13] =	ssyncset.done $0x0  }
0x29: {  	s21 =	sadd.s32 s5, s21;
	[sflag:s13] =	ssyncadd.s32 $0xFFFFE0C0  }
0x2a: {  	[tilespmem:s18], [sflag:$0x1] =	stream.linear.gather [hbm4b:s21+s3], $0x1F40, $0x38;
	[tilespmem:$0x1C700] =	vst v63  }
0x2b: {  	_ =	swait.ge [sflag:s13], $0x1F40  }
0x2c: {  	s23 =	simm.s32 $0x1A7A0;
	[sflag:s13] =	ssyncset.done $0x0  }
0x2d: {  	s22 =	simm.s32 $0x18820;
	s21 =	simm.s32 $0xFFFFFFFE;
	[sflag:s13] =	ssyncadd.s32 $0xFFFFE0C0  }
.LBB2_3:
0x2e: {  	v1 =	vld [tilespmem:s22+$0xFFFFFFE0]  }
0x2f: {  	v2 =	vld [tilespmem:s22+$0xFFFFFFF0];
	_ =	sdelay $0x3  }
0x30: {  	v1 =	vshll.u32 v1, $0x2  }
0x31: {  	v2 =	vshll.u32 v2, $0x2  }
0x32: {  	v3 =	vor.u32 $0x1, v1  }
0x33: {  	v5 =	vld [tilespmem:s23+$0xFFFFFFE0];
	v4 =	vor.u32 $0x2, v1  }
0x34: {  	v7 =	vld [tilespmem:s23+$0xFFFFFFF0];
	v6 =	vor.u32 $0x3, v1  }
0x35: {  	v8 =	vor.u32 $0x1, v2;
	v1 =	vld.idx.msk [tilespmem:v1+s3+$0x0], $0xffff  }
0x36: {  	v9 =	vor.u32 $0x2, v2;
	v10 =	vor.u32 $0x3, v2;
	v2 =	vld.idx.msk [tilespmem:v2+s3+$0x0], $0xffff  }
0x37: {  	v3 =	vld.idx.msk [tilespmem:v3+s3+$0x0], $0xffff  }
0x38: {  	v5 =	vshll.u32 v5, $0x2;
	v4 =	vld.idx.msk [tilespmem:v4+s3+$0x0], $0xffff  }
0x39: {  	v11 =	vor.u32 $0x1, v5;
	v6 =	vld.idx.msk [tilespmem:v6+s3+$0x0], $0xffff  }
0x3a: {  	v12 =	vor.u32 $0x2, v5;
	v8 =	vld.idx.msk [tilespmem:v8+s3+$0x0], $0xffff  }
0x3b: {  	v13 =	vor.u32 $0x3, v5;
	v9 =	vld.idx.msk [tilespmem:v9+s3+$0x0], $0xffff  }
0x3c: {  	v7 =	vshll.u32 v7, $0x2;
	v10 =	vld.idx.msk [tilespmem:v10+s3+$0x0], $0xffff  }
0x3d: {  	[tilespmem:v5+s14+$0x0] =	vst.idx.add.f32.msk $0xffff, v1;
	v1 =	vor.u32 $0x1, v7  }
0x3e: {  	[tilespmem:v11+s14+$0x0] =	vst.idx.add.f32.msk $0xffff, v3;
	v3 =	vor.u32 $0x2, v7  }
0x3f: {  	v54 =	vor.u32 $0x3, v7;
	[tilespmem:v12+s14+$0x0] =	vst.idx.add.f32.msk $0xffff, v4  }
0x40: {  	[tilespmem:v13+s14+$0x0] =	vst.idx.add.f32.msk $0xffff, v6  }
0x41: {  	[tilespmem:v7+s14+$0x0] =	vst.idx.add.f32.msk $0xffff, v2  }
0x42: {  	[tilespmem:v1+s14+$0x0] =	vst.idx.add.f32.msk $0xffff, v8  }
0x43: {  	[tilespmem:v3+s14+$0x0] =	vst.idx.add.f32.msk $0xffff, v9  }
0x44: {  	[tilespmem:v54+s14+$0x0] =	vst.idx.add.f32.msk $0xffff, v10  }
0x45: {  	v1 =	vld [tilespmem:s22+$0x0]  }
0x46: {  	v2 =	vld [tilespmem:s22+$0x10];
	_ =	sdelay $0x3  }
0x47: {  	v1 =	vshll.u32 v1, $0x2  }
0x48: {  	v2 =	vshll.u32 v2, $0x2  }
0x49: {  	v3 =	vor.u32 $0x1, v1  }
0x4a: {  	v5 =	vld [tilespmem:s23+$0x0];
	v55 =	vor.u32 $0x2, v1  }
0x4b: {  	v7 =	vld [tilespmem:s23+$0x10];
	v56 =	vor.u32 $0x3, v1  }
0x4c: {  	v57 =	vor.u32 $0x1, v2;
	v1 =	vld.idx.msk [tilespmem:v1+s3+$0x0], $0xffff  }
0x4d: {  	v58 =	vor.u32 $0x2, v2;
	v59 =	vor.u32 $0x3, v2;
	v2 =	vld.idx.msk [tilespmem:v2+s3+$0x0], $0xffff  }
0x4e: {  	v3 =	vld.idx.msk [tilespmem:v3+s3+$0x0], $0xffff  }
0x4f: {  	v5 =	vshll.u32 v5, $0x2;
	v4 =	vld.idx.msk [tilespmem:v55+s3+$0x0], $0xffff  }
0x50: {  	v60 =	vor.u32 $0x1, v5;
	v6 =	vld.idx.msk [tilespmem:v56+s3+$0x0], $0xffff  }
0x51: {  	v61 =	vor.u32 $0x2, v5;
	v8 =	vld.idx.msk [tilespmem:v57+s3+$0x0], $0xffff  }
0x52: {  	v62 =	vor.u32 $0x3, v5;
	v9 =	vld.idx.msk [tilespmem:v58+s3+$0x0], $0xffff  }
0x53: {  	v7 =	vshll.u32 v7, $0x2;
	v10 =	vld.idx.msk [tilespmem:v59+s3+$0x0], $0xffff  }
0x54: {  	[tilespmem:v5+s14+$0x0] =	vst.idx.add.f32.msk $0xffff, v1;
	v1 =	vor.u32 $0x1, v7  }
0x55: {  	s21 =	sadd.s32 $0x2, s21;
	[tilespmem:v60+s14+$0x0] =	vst.idx.add.f32.msk $0xffff, v3;
	v3 =	vor.u32 $0x2, v7  }
0x56: {  	p0 =	slt.u32 s21, $0xF8;
	v63 =	vor.u32 $0x3, v7;
	[tilespmem:v61+s14+$0x0] =	vst.idx.add.f32.msk $0xffff, v4  }
.Ltmp0:
0x57: {  	[tilespmem:v62+s14+$0x0] =	vst.idx.add.f32.msk $0xffff, v6;
	(pc) =	sbr.rel @p0 .LBB2_3-.Ltmp0, $4  }
0x58: {  	[tilespmem:v7+s14+$0x0] =	vst.idx.add.f32.msk $0xffff, v2  }
0x59: {  	[tilespmem:v1+s14+$0x0] =	vst.idx.add.f32.msk $0xffff, v8  }
0x5a: {  	[tilespmem:v3+s14+$0x0] =	vst.idx.add.f32.msk $0xffff, v9  }
0x5b: {  	s22 =	sadd.s32 $0x40, s22;
	s23 =	sadd.s32 $0x40, s23;
	[tilespmem:v63+s14+$0x0] =	vst.idx.add.f32.msk $0xffff, v10  }
0x5c: {  	s20 =	sadd.s32 $0x1, s20  }
0x5d: {  	p0 =	sne.s32 s20, $0x28  }
.Ltmp1:
0x5e: {  	_ = 	snop;
	(pc) =	sbr.rel @p0 .LBB2_2-.Ltmp1, $1  }
0x5f: {  	_ =	sdelay $0x3  }
0x60: {  	s20 =	simm.s32 $0x0  }
0x61: {  	v1 =	vmov s20;
	v2 =	vor.u32 s20, v0  }
0x62: {  	v2 =	vshrl.u32 v2, $0x2;
	v1 =	vshrl.u32 v1, $0x2  }
0x63: {  	v2 =	vand.u32 $0x73, v2;
	v1 =	vand.u32 $0x3F80, v1  }
0x64: {  	v1 =	vor.u32 v1, v2;
	_ =	sdelay $0x2  }
0x65: {  	s21 =	simm.s32 $0x9CA0  }
0x66: {  	s22 =	simm.s32 $0x10;
	v2 =	vld [tilespmem:s21+$0xFFFFFFE0]  }
0x67: {  	v3 =	vmov s22;
	v4 =	vor.u32 s22, v0;
	v1 =	vld.idx.msk [tilespmem:v1+s15+$0x0], $0xffff  }
0x68: {  	v4 =	vshrl.u32 v4, $0x2;
	v3 =	vshrl.u32 v3, $0x2  }
0x69: {  	v4 =	vand.u32 $0x7F, v4;
	v3 =	vand.u32 $0x3F80, v3  }
0x6a: {  	v3 =	vor.u32 v3, v4;
	_ =	sdelay $0x1  }
0x6b: {  	v1 =	vmul.f32 v2, v1;
	_ =	sdelay $0x1  }
0x6c: {  	s30 =	simm.s32 $0x20;
	v2 =	vld [tilespmem:s21+$0xFFFFFFF0];
	[tilespmem:s21+$0xFFFFFFE0] =	vst v1  }
0x6d: {  	v62 =	vor.u32 s30, v0;
	v1 =	vld.idx.msk [tilespmem:v3+s15+$0x0], $0xffff;
	v3 =	vmov s30  }
0x6e: {  	v4 =	vshrl.u32 v62, $0x2;
	v3 =	vshrl.u32 v3, $0x2  }
0x6f: {  	v4 =	vand.u32 $0x7F, v4;
	v3 =	vand.u32 $0x3F80, v3  }
0x70: {  	v3 =	vor.u32 v3, v4;
	_ =	sdelay $0x1  }
0x71: {  	v1 =	vmul.f32 v2, v1;
	_ =	sdelay $0x1  }
0x72: {  	s31 =	simm.s32 $0x30;
	v2 =	vld [tilespmem:s21+$0x0];
	[tilespmem:s21+$0xFFFFFFF0] =	vst v1  }
0x73: {  	v63 =	vor.u32 s31, v0;
	v1 =	vld.idx.msk [tilespmem:v3+s15+$0x0], $0xffff;
	v3 =	vmov s31  }
0x74: {  	v4 =	vshrl.u32 v63, $0x2;
	v3 =	vshrl.u32 v3, $0x2  }
0x75: {  	v4 =	vand.u32 $0x7F, v4;
	v3 =	vand.u32 $0x3F80, v3  }
0x76: {  	v3 =	vor.u32 v3, v4;
	_ =	sdelay $0x1  }
0x77: {  	v1 =	vmul.f32 v2, v1;
	_ =	sdelay $0x1  }
0x78: {  	[tilespmem:s21+$0x0] =	vst v1  }
0x79: {  	s23 =	simm.s32 $0x40;
	s22 =	simm.s32 $0x0;
	v1 =	vld.idx.msk [tilespmem:v3+s15+$0x0], $0xffff  }
.LBB2_6:
0x7a: {  	v2 =	vmov s23;
	v3 =	vor.u32 s23, v0;
	s22 =	sadd.s32 $0x4, s22;
	v4 =	vld [tilespmem:s21+$0x10]  }
0x7b: {  	v3 =	vshrl.u32 v3, $0x2;
	v2 =	vshrl.u32 v2, $0x2;
	p0 =	slt.u32 s22, $0x9C0  }
0x7c: {  	v3 =	vand.u32 $0x73, v3;
	v2 =	vand.u32 $0x3F80, v2  }
0x7d: {  	v2 =	vor.u32 v2, v3;
	_ =	sdelay $0x1  }
0x7e: {  	v1 =	vmul.f32 v4, v1;
	_ =	sdelay $0x1  }
0x7f: {  	[tilespmem:s21+$0x10] =	vst v1  }
0x80: {  	s24 =	sadd.s32 $0x10, s23;
	s21 =	sadd.s32 $0x40, s21;
	v1 =	vld.idx.msk [tilespmem:v2+s15+$0x0], $0xffff  }
0x81: {  	v3 =	vmov s24;
	v4 =	vor.u32 s24, v0;
	v2 =	vld [tilespmem:s21+$0xFFFFFFE0]  }
0x82: {  	v3 =	vshrl.u32 v3, $0x2;
	v4 =	vshrl.u32 v4, $0x2  }
0x83: {  	v3 =	vand.u32 $0x3F80, v3;
	v4 =	vand.u32 $0x7F, v4  }
0x84: {  	v3 =	vor.u32 v3, v4;
	_ =	sdelay $0x1  }
0x85: {  	v1 =	vmul.f32 v2, v1;
	_ =	sdelay $0x1  }
0x86: {  	[tilespmem:s21+$0xFFFFFFE0] =	vst v1  }
0x87: {  	s24 =	sadd.s32 $0x20, s23;
	v1 =	vld.idx.msk [tilespmem:v3+s15+$0x0], $0xffff  }
0x88: {  	v4 =	vor.u32 s24, v0;
	v3 =	vmov s24;
	v2 =	vld [tilespmem:s21+$0xFFFFFFF0]  }
0x89: {  	v4 =	vshrl.u32 v4, $0x2;
	v3 =	vshrl.u32 v3, $0x2  }
0x8a: {  	v4 =	vand.u32 $0x7F, v4;
	v3 =	vand.u32 $0x3F80, v3  }
0x8b: {  	v3 =	vor.u32 v3, v4;
	_ =	sdelay $0x1  }
0x8c: {  	v1 =	vmul.f32 v2, v1;
	_ =	sdelay $0x1  }
0x8d: {  	[tilespmem:s21+$0xFFFFFFF0] =	vst v1  }
0x8e: {  	s24 =	sadd.s32 $0x30, s23;
	v1 =	vld.idx.msk [tilespmem:v3+s15+$0x0], $0xffff  }
0x8f: {  	v4 =	vor.u32 s24, v0;
	v3 =	vmov s24;
	v2 =	vld [tilespmem:s21+$0x0]  }
0x90: {  	v4 =	vshrl.u32 v4, $0x2;
	v3 =	vshrl.u32 v3, $0x2  }
0x91: {  	v4 =	vand.u32 $0x7F, v4;
	v3 =	vand.u32 $0x3F80, v3  }
0x92: {  	v3 =	vor.u32 v3, v4  }
.Ltmp2:
0x93: {  	(pc) =	sbr.rel @p0 .LBB2_6-.Ltmp2, $3  }
0x94: {  	v1 =	vmul.f32 v2, v1;
	_ =	sdelay $0x1  }
0x95: {  	[tilespmem:s21+$0x0] =	vst v1  }
0x96: {  	s23 =	sadd.s32 $0x40, s23;
	v1 =	vld.idx.msk [tilespmem:v3+s15+$0x0], $0xffff  }
0x97: {  	v2 =	vld [tilespmem:s21+$0x10];
	_ =	sdelay $0x4  }
0x98: {  	v1 =	vmul.f32 v2, v1;
	_ =	sdelay $0x1  }
0x99: {  	[tilespmem:s21+$0x10] =	vst v1  }
.LBB2_8:
0x9a: {  	s21 =	sadd.s32 s7, s20  }
0x9b: {  	s22 =	sadd.s32 $0xFFFFFFD8, s21  }
0x9c: {  	s21 =	smin.u32 s22, s21  }
0x9d: {  	s21 =	smul.u32 $0x1F40, s21;
	_ =	sdelay $0x1  }
0x9e: {  	s21 =	sshrl.u32 s21, $0x3  }
0x9f: {  	s31 =	sadd.s32 s4, s21  }
0xa0: {  	[tilespmem:s17], [sflag:$0x1] =	stream.linear.gather [hbm4b:s31+s3], $0x1F40, $0x38;
	[tilespmem:$0x1C700] =	vst v63  }
0xa1: {  	_ =	swait.ge [sflag:s13], $0x1F40  }
0xa2: {  	[sflag:s13] =	ssyncset.done $0x0  }
0xa3: {  	s21 =	sadd.s32 s5, s21;
	[sflag:s13] =	ssyncadd.s32 $0xFFFFE0C0  }
0xa4: {  	[tilespmem:s18], [sflag:$0x1] =	stream.linear.gather [hbm4b:s21+s3], $0x1F40, $0x38;
	[tilespmem:$0x1C700] =	vst v63  }
0xa5: {  	_ =	swait.ge [sflag:s13], $0x1F40  }
0xa6: {  	s23 =	simm.s32 $0x1A7A0;
	[sflag:s13] =	ssyncset.done $0x0  }
0xa7: {  	s22 =	simm.s32 $0x18820;
	s21 =	simm.s32 $0xFFFFFFFE;
	[sflag:s13] =	ssyncadd.s32 $0xFFFFE0C0  }
.LBB2_9:
0xa8: {  	v1 =	vld [tilespmem:s22+$0xFFFFFFE0]  }
0xa9: {  	v2 =	vld [tilespmem:s22+$0xFFFFFFF0];
	_ =	sdelay $0x3  }
0xaa: {  	v1 =	vshll.u32 v1, $0x2  }
0xab: {  	v2 =	vshll.u32 v2, $0x2  }
0xac: {  	v3 =	vor.u32 $0x1, v1  }
0xad: {  	v5 =	vld [tilespmem:s23+$0xFFFFFFE0];
	v4 =	vor.u32 $0x2, v1  }
0xae: {  	v7 =	vld [tilespmem:s23+$0xFFFFFFF0];
	v6 =	vor.u32 $0x3, v1  }
0xaf: {  	v8 =	vor.u32 $0x1, v2;
	v1 =	vld.idx.msk [tilespmem:v1+s14+$0x0], $0xffff  }
0xb0: {  	v9 =	vor.u32 $0x2, v2;
	v10 =	vor.u32 $0x3, v2;
	v2 =	vld.idx.msk [tilespmem:v2+s14+$0x0], $0xffff  }
0xb1: {  	v3 =	vld.idx.msk [tilespmem:v3+s14+$0x0], $0xffff  }
0xb2: {  	v5 =	vshll.u32 v5, $0x2;
	v4 =	vld.idx.msk [tilespmem:v4+s14+$0x0], $0xffff  }
0xb3: {  	v11 =	vor.u32 $0x1, v5;
	v6 =	vld.idx.msk [tilespmem:v6+s14+$0x0], $0xffff  }
0xb4: {  	v12 =	vor.u32 $0x2, v5;
	v8 =	vld.idx.msk [tilespmem:v8+s14+$0x0], $0xffff  }
0xb5: {  	v13 =	vor.u32 $0x3, v5;
	v9 =	vld.idx.msk [tilespmem:v9+s14+$0x0], $0xffff  }
0xb6: {  	v7 =	vshll.u32 v7, $0x2;
	v10 =	vld.idx.msk [tilespmem:v10+s14+$0x0], $0xffff  }
0xb7: {  	[tilespmem:v5+s3+$0x0] =	vst.idx.add.f32.msk $0xffff, v1;
	v1 =	vor.u32 $0x1, v7  }
0xb8: {  	[tilespmem:v11+s3+$0x0] =	vst.idx.add.f32.msk $0xffff, v3;
	v3 =	vor.u32 $0x2, v7  }
0xb9: {  	v54 =	vor.u32 $0x3, v7;
	[tilespmem:v12+s3+$0x0] =	vst.idx.add.f32.msk $0xffff, v4  }
0xba: {  	[tilespmem:v13+s3+$0x0] =	vst.idx.add.f32.msk $0xffff, v6  }
0xbb: {  	[tilespmem:v7+s3+$0x0] =	vst.idx.add.f32.msk $0xffff, v2  }
0xbc: {  	[tilespmem:v1+s3+$0x0] =	vst.idx.add.f32.msk $0xffff, v8  }
0xbd: {  	[tilespmem:v3+s3+$0x0] =	vst.idx.add.f32.msk $0xffff, v9  }
0xbe: {  	[tilespmem:v54+s3+$0x0] =	vst.idx.add.f32.msk $0xffff, v10  }
0xbf: {  	v1 =	vld [tilespmem:s22+$0x0]  }
0xc0: {  	v2 =	vld [tilespmem:s22+$0x10];
	_ =	sdelay $0x3  }
0xc1: {  	v1 =	vshll.u32 v1, $0x2  }
0xc2: {  	v2 =	vshll.u32 v2, $0x2  }
0xc3: {  	v3 =	vor.u32 $0x1, v1  }
0xc4: {  	v5 =	vld [tilespmem:s23+$0x0];
	v55 =	vor.u32 $0x2, v1  }
0xc5: {  	v7 =	vld [tilespmem:s23+$0x10];
	v56 =	vor.u32 $0x3, v1  }
0xc6: {  	v57 =	vor.u32 $0x1, v2;
	v1 =	vld.idx.msk [tilespmem:v1+s14+$0x0], $0xffff  }
0xc7: {  	v58 =	vor.u32 $0x2, v2;
	v59 =	vor.u32 $0x3, v2;
	v2 =	vld.idx.msk [tilespmem:v2+s14+$0x0], $0xffff  }
0xc8: {  	v3 =	vld.idx.msk [tilespmem:v3+s14+$0x0], $0xffff  }
0xc9: {  	v5 =	vshll.u32 v5, $0x2;
	v4 =	vld.idx.msk [tilespmem:v55+s14+$0x0], $0xffff  }
0xca: {  	v60 =	vor.u32 $0x1, v5;
	v6 =	vld.idx.msk [tilespmem:v56+s14+$0x0], $0xffff  }
0xcb: {  	v61 =	vor.u32 $0x2, v5;
	v8 =	vld.idx.msk [tilespmem:v57+s14+$0x0], $0xffff  }
0xcc: {  	v62 =	vor.u32 $0x3, v5;
	v9 =	vld.idx.msk [tilespmem:v58+s14+$0x0], $0xffff  }
0xcd: {  	v7 =	vshll.u32 v7, $0x2;
	v10 =	vld.idx.msk [tilespmem:v59+s14+$0x0], $0xffff  }
0xce: {  	[tilespmem:v5+s3+$0x0] =	vst.idx.add.f32.msk $0xffff, v1;
	v1 =	vor.u32 $0x1, v7  }
0xcf: {  	s21 =	sadd.s32 $0x2, s21;
	[tilespmem:v60+s3+$0x0] =	vst.idx.add.f32.msk $0xffff, v3;
	v3 =	vor.u32 $0x2, v7  }
0xd0: {  	p0 =	slt.u32 s21, $0xF8;
	v63 =	vor.u32 $0x3, v7;
	[tilespmem:v61+s3+$0x0] =	vst.idx.add.f32.msk $0xffff, v4  }
.Ltmp3:
0xd1: {  	[tilespmem:v62+s3+$0x0] =	vst.idx.add.f32.msk $0xffff, v6;
	(pc) =	sbr.rel @p0 .LBB2_9-.Ltmp3, $4  }
0xd2: {  	[tilespmem:v7+s3+$0x0] =	vst.idx.add.f32.msk $0xffff, v2  }
0xd3: {  	[tilespmem:v1+s3+$0x0] =	vst.idx.add.f32.msk $0xffff, v8  }
0xd4: {  	[tilespmem:v3+s3+$0x0] =	vst.idx.add.f32.msk $0xffff, v9  }
0xd5: {  	s22 =	sadd.s32 $0x40, s22;
	s23 =	sadd.s32 $0x40, s23;
	[tilespmem:v63+s3+$0x0] =	vst.idx.add.f32.msk $0xffff, v10  }
0xd6: {  	s20 =	sadd.s32 $0x1, s20  }
0xd7: {  	p0 =	sne.s32 s20, $0x28  }
.Ltmp4:
0xd8: {  	_ = 	snop;
	(pc) =	sbr.rel @p0 .LBB2_8-.Ltmp4, $1  }
0xd9: {  	_ =	sdelay $0x3  }
0xda: {  	s20 =	simm.s32 $0x0  }
0xdb: {  	v1 =	vmov s20;
	v2 =	vor.u32 s20, v0  }
0xdc: {  	v2 =	vshrl.u32 v2, $0x2;
	v1 =	vshrl.u32 v1, $0x2  }
0xdd: {  	v2 =	vand.u32 $0x73, v2;
	v1 =	vand.u32 $0x3F80, v1  }
0xde: {  	v1 =	vor.u32 v1, v2;
	_ =	sdelay $0x2  }
0xdf: {  	s20 =	simm.s32 $0x20  }
0xe0: {  	s21 =	simm.s32 $0x10;
	v2 =	vld [tilespmem:s20+$0xFFFFFFE0]  }
0xe1: {  	v3 =	vmov s21;
	v4 =	vor.u32 s21, v0;
	v1 =	vld.idx.msk [tilespmem:v1+s16+$0x0], $0xffff  }
0xe2: {  	v4 =	vshrl.u32 v4, $0x2;
	v3 =	vshrl.u32 v3, $0x2  }
0xe3: {  	v4 =	vand.u32 $0x7F, v4;
	v3 =	vand.u32 $0x3F80, v3  }
0xe4: {  	v3 =	vor.u32 v3, v4;
	_ =	sdelay $0x1  }
0xe5: {  	v1 =	vmul.f32 v2, v1;
	_ =	sdelay $0x1  }
0xe6: {  	s30 =	simm.s32 $0x20;
	v2 =	vld [tilespmem:s20+$0xFFFFFFF0];
	[tilespmem:s20+$0xFFFFFFE0] =	vst v1  }
0xe7: {  	v62 =	vor.u32 s30, v0;
	v1 =	vld.idx.msk [tilespmem:v3+s16+$0x0], $0xffff;
	v3 =	vmov s30  }
0xe8: {  	v4 =	vshrl.u32 v62, $0x2;
	v3 =	vshrl.u32 v3, $0x2  }
0xe9: {  	v4 =	vand.u32 $0x7F, v4;
	v3 =	vand.u32 $0x3F80, v3  }
0xea: {  	v3 =	vor.u32 v3, v4;
	_ =	sdelay $0x1  }
0xeb: {  	v1 =	vmul.f32 v2, v1;
	_ =	sdelay $0x1  }
0xec: {  	s31 =	simm.s32 $0x30;
	v2 =	vld [tilespmem:s20+$0x0];
	[tilespmem:s20+$0xFFFFFFF0] =	vst v1  }
0xed: {  	v63 =	vor.u32 s31, v0;
	v1 =	vld.idx.msk [tilespmem:v3+s16+$0x0], $0xffff;
	v3 =	vmov s31  }
0xee: {  	v4 =	vshrl.u32 v63, $0x2;
	v3 =	vshrl.u32 v3, $0x2  }
0xef: {  	v4 =	vand.u32 $0x7F, v4;
	v3 =	vand.u32 $0x3F80, v3  }
0xf0: {  	v3 =	vor.u32 v3, v4;
	_ =	sdelay $0x1  }
0xf1: {  	v1 =	vmul.f32 v2, v1;
	_ =	sdelay $0x1  }
0xf2: {  	[tilespmem:s20+$0x0] =	vst v1  }
0xf3: {  	s22 =	simm.s32 $0x40;
	s21 =	simm.s32 $0x0;
	v1 =	vld.idx.msk [tilespmem:v3+s16+$0x0], $0xffff  }
.LBB2_12:
0xf4: {  	v2 =	vmov s22;
	v3 =	vor.u32 s22, v0;
	s21 =	sadd.s32 $0x4, s21;
	v4 =	vld [tilespmem:s20+$0x10]  }
0xf5: {  	v3 =	vshrl.u32 v3, $0x2;
	v2 =	vshrl.u32 v2, $0x2;
	p0 =	slt.u32 s21, $0x9C0  }
0xf6: {  	v3 =	vand.u32 $0x73, v3;
	v2 =	vand.u32 $0x3F80, v2  }
0xf7: {  	v2 =	vor.u32 v2, v3;
	_ =	sdelay $0x1  }
0xf8: {  	v1 =	vmul.f32 v4, v1;
	_ =	sdelay $0x1  }
0xf9: {  	[tilespmem:s20+$0x10] =	vst v1  }
0xfa: {  	s23 =	sadd.s32 $0x10, s22;
	s20 =	sadd.s32 $0x40, s20;
	v1 =	vld.idx.msk [tilespmem:v2+s16+$0x0], $0xffff  }
0xfb: {  	v3 =	vmov s23;
	v4 =	vor.u32 s23, v0;
	v2 =	vld [tilespmem:s20+$0xFFFFFFE0]  }
0xfc: {  	v3 =	vshrl.u32 v3, $0x2;
	v4 =	vshrl.u32 v4, $0x2  }
0xfd: {  	v3 =	vand.u32 $0x3F80, v3;
	v4 =	vand.u32 $0x7F, v4  }
0xfe: {  	v3 =	vor.u32 v3, v4;
	_ =	sdelay $0x1  }
0xff: {  	v1 =	vmul.f32 v2, v1;
	_ =	sdelay $0x1  }
0x100: {  	[tilespmem:s20+$0xFFFFFFE0] =	vst v1  }
0x101: {  	s23 =	sadd.s32 $0x20, s22;
	v1 =	vld.idx.msk [tilespmem:v3+s16+$0x0], $0xffff  }
0x102: {  	v4 =	vor.u32 s23, v0;
	v3 =	vmov s23;
	v2 =	vld [tilespmem:s20+$0xFFFFFFF0]  }
0x103: {  	v4 =	vshrl.u32 v4, $0x2;
	v3 =	vshrl.u32 v3, $0x2  }
0x104: {  	v4 =	vand.u32 $0x7F, v4;
	v3 =	vand.u32 $0x3F80, v3  }
0x105: {  	v3 =	vor.u32 v3, v4;
	_ =	sdelay $0x1  }
0x106: {  	v1 =	vmul.f32 v2, v1;
	_ =	sdelay $0x1  }
0x107: {  	[tilespmem:s20+$0xFFFFFFF0] =	vst v1  }
0x108: {  	s23 =	sadd.s32 $0x30, s22;
	v1 =	vld.idx.msk [tilespmem:v3+s16+$0x0], $0xffff  }
0x109: {  	v4 =	vor.u32 s23, v0;
	v3 =	vmov s23;
	v2 =	vld [tilespmem:s20+$0x0]  }
0x10a: {  	v4 =	vshrl.u32 v4, $0x2;
	v3 =	vshrl.u32 v3, $0x2  }
0x10b: {  	v4 =	vand.u32 $0x7F, v4;
	v3 =	vand.u32 $0x3F80, v3  }
0x10c: {  	v3 =	vor.u32 v3, v4  }
.Ltmp5:
0x10d: {  	(pc) =	sbr.rel @p0 .LBB2_12-.Ltmp5, $3  }
0x10e: {  	v1 =	vmul.f32 v2, v1;
	_ =	sdelay $0x1  }
0x10f: {  	[tilespmem:s20+$0x0] =	vst v1  }
0x110: {  	s22 =	sadd.s32 $0x40, s22;
	v1 =	vld.idx.msk [tilespmem:v3+s16+$0x0], $0xffff  }
0x111: {  	v2 =	vld [tilespmem:s20+$0x10];
	_ =	sdelay $0x4  }
0x112: {  	s19 =	sadd.s32 $0x1, s19;
	v1 =	vmul.f32 v2, v1  }
0x113: {  	p0 =	sne.s32 s19, s10  }
.Ltmp6:
0x114: {  	[tilespmem:s20+$0x10] =	vst v1;
	(pc) =	sbr.rel @p0 .LBB2_1-.Ltmp6, $4  }
0x115: {  	[hbm4b:s9+s11] =	stream.strided.scatter [tilespmem:s3], [sflag:$0x1], $0x9C80, s12, s11, $0x38;
	[tilespmem:$0x1C700] =	vst v63  }
0x116: {  	_ =	swait.ge [sflag:s13], $0x9C80  }
0x117: {  	[sflag:s13] =	ssyncset.done $0x0  }
0x118: {  	[sflag:s13] =	ssyncadd.s32 $0xFFFF6380  }
0x119: {  	_ =	sfence.sel $0x180000  }
0x11a: {  	[bflag:$0x0] =	sbarrier.arrive $0xFFFF  }
0x11b: {  	p0 =	sne.s32 s1, $0x0;
	_ =	strace $0x9000004A  }
0x11c: {  	s0 =	sadd.s32 @!p0 $0x100000, s0;
	[bflag:$0x2] =	sbarrier.arrive $0xFFFF  }
0x11d: {  	[sflag:s0] =	ssyncadd.tile.s32 @!p0 $0x1;
	_ =	shalt  }
.Lfunc_end2:
_tile_overlayer_lowered:
.L_overlay_start_2:
0x11e: {  	(tag) =	ssettag $0x2  }
0x11f: {  	s0 =	rddreg [dreg:$0x0];
	s2 =	stileid.u32  }
0x120: {  	s1 =	rddreg [dreg:$0x1];
	p0 =	sne.s32 s2, $0x0  }
0x121: {  	s3 =	rddreg [dreg:$0x2];
	[bflag:$0x3] =	sbarrier.arrive $0xFFFF;
	s2 =	simm.s32 @!p0 $0x1C01  }
0x122: {  	[timem:s3], [sflag:s2] =	dma.local @!p0 [hbm:s0], s1  }
0x123: {  	s0 =	simm.s32 @!p0 $0x1  }
0x124: {  	_ =	swait.ge @!p0 [sflag:s0], s1  }
0x125: {  	s1 =	ssub.s32 @!p0 $0x0, s1;
	[sflag:s0] =	ssyncset.done @!p0 $0x0  }
0x126: {  	[sflag:s0] =	ssyncadd.s32 @!p0 s1  }
0x127: {  	[bflag:$0x3] =	sbarrier.arrive $0xFFFF  }
0x128: {  	_ =	shalt  }

</sc_bundles>
